<compile_context>
chip_gen: v7x
topology: tpu7x:2x2x1
jax: 0.10.2.dev20260603
libtpu: 0.0.44.dev20260713+nightly
codegen_flags: <defaults>
</compile_context>

<pallas_src>
import functools

import jax
import jax.numpy as jnp
from jax import lax
from jax.experimental import pallas as pl
from jax.experimental.pallas import tpu as pltpu
from jax.experimental.pallas import tpu_sc as plsc

NUM_SYSTEMS = 512
N_ATOMS = 50000
N_PAIRS = 1600000

NC = 2
NS = 16
NW = NC * NS
L = 16

BLK = 128
NBLK = N_PAIRS // BLK
BLK_PER_W = NBLK // NW
EXTRA_W = NBLK - BLK_PER_W * NW
CHUNK_BLK = 39
CHUNK = CHUNK_BLK * BLK
NCHUNKS = BLK_PER_W // CHUNK_BLK
VECS = CHUNK // L
UNROLL = 6

COULOMB_SCALE = 138.96

RC0 = 0.9997018290052982
RC1 = -0.48917531316256574
RC2 = 0.2748334539844737


@functools.partial(
    pl.kernel,
    out_type=jax.ShapeDtypeStruct((NW, NUM_SYSTEMS), jnp.float32),
    mesh=plsc.VectorSubcoreMesh(core_axis_name="c", subcore_axis_name="s"),
    compiler_params=pltpu.CompilerParams(needs_layout_passes=False),
    scratch_types=[
        pltpu.VMEM((N_ATOMS,), jnp.int32),
        pltpu.VMEM((NUM_SYSTEMS,), jnp.float32),
        pltpu.VMEM((NUM_SYSTEMS,), jnp.float32),
        pltpu.VMEM((2, 2, CHUNK), jnp.int32),
        pltpu.VMEM((2 * CHUNK,), jnp.float32),
        pltpu.VMEM((2, BLK), jnp.int32),
        pltpu.VMEM((BLK,), jnp.float32),
        pltpu.SemaphoreType.DMA,
    ],
)
def _sc_coulomb(tab_hbm, pairs_hbm, d_hbm, out_hbm,
                tab_v, acc, res, pb_v, d_v, tp_v, td_v, sem):
    cid = lax.axis_index("c")
    sid = lax.axis_index("s")
    wid = sid * NC + cid
    base_blk = wid * BLK_PER_W + jnp.minimum(wid, EXTRA_W)
    base_w = base_blk * BLK

    def issue_chunk(ci):
        cb = pl.multiple_of(base_w + ci * CHUNK, BLK)
        par = lax.rem(ci, 2)
        pltpu.async_copy(pairs_hbm.at[:, pl.ds(cb, CHUNK)], pb_v.at[par], sem)
        pltpu.async_copy(d_hbm.at[pl.ds(cb, CHUNK)],
                         d_v.at[pl.ds(par * CHUNK, CHUNK)], sem)

    def wait_chunk(ci):
        cb = pl.multiple_of(base_w + ci * CHUNK, BLK)
        par = lax.rem(ci, 2)
        pltpu.make_async_copy(pairs_hbm.at[:, pl.ds(cb, CHUNK)],
                              pb_v.at[par], sem).wait()
        pltpu.make_async_copy(d_hbm.at[pl.ds(cb, CHUNK)],
                              d_v.at[pl.ds(par * CHUNK, CHUNK)], sem).wait()

    tab_copy = pltpu.async_copy(tab_hbm, tab_v, sem)
    issue_chunk(0)

    zero = jnp.zeros((L,), jnp.float32)

    def zero_body(i, _):
        acc[pl.ds(i * L, L)] = zero
        return 0

    lax.fori_loop(0, NUM_SYSTEMS // L, zero_body, 0)

    tab_copy.wait()

    def process(iis, jjs, dds):
        rcs = [1.0 / dd for dd in dds]
        wis = [plsc.load_gather(tab_v, [ii]) for ii in iis]
        wjs = [plsc.load_gather(tab_v, [jj]) for jj in jjs]
        segs = [w & 0x1FF for w in wis]
        sjs = [w & 0x1FF for w in wjs]
        qis = [plsc.bitcast(w ^ s, jnp.float32) for w, s in zip(wis, segs)]
        qjs = [plsc.bitcast(w ^ s, jnp.float32) for w, s in zip(wjs, sjs)]
        us = [dd * dd for dd in dds]
        aa = [240.0 - 192.0 * dd for dd in dds]
        bb = [dd * a for dd, a in zip(dds, aa)]
        cc = [b - 80.0 for b in bb]
        dus = [dd * u for dd, u in zip(dds, us)]
        pps = [du * c for du, c in zip(dus, cc)]
        rr = [RC0 + u * (RC1 + RC2 * u) for u in us]
        mms = [r - rc for r, rc in zip(rr, rcs)]
        phis = [jnp.maximum(1.0 + p, 0.0) for p in pps]
        chis = [rc + m * phi for rc, m, phi in zip(rcs, mms, phis)]
        es = [qi * qj * chi for qi, qj, chi in zip(qis, qjs, chis)]
        msks = [ii < jj for ii, jj in zip(iis, jjs)]
        for seg, e, msk in zip(segs, es, msks):
            plsc.addupdate_scatter(acc, [seg], e, mask=msk)

    def chunk_body(ci, _):
        wait_chunk(ci)

        @pl.when(ci + 1 < NCHUNKS)
        def _():
            issue_chunk(ci + 1)

        par = lax.rem(ci, 2)
        doff = par * CHUNK

        @plsc.parallel_loop(0, VECS // UNROLL)
        def vec_body(vi):
            o = vi * (L * UNROLL)
            ks = range(UNROLL)
            process([pb_v[par, 0, pl.ds(o + k * L, L)] for k in ks],
                    [pb_v[par, 1, pl.ds(o + k * L, L)] for k in ks],
                    [d_v[pl.ds(doff + o + k * L, L)] for k in ks])

        return 0

    lax.fori_loop(0, NCHUNKS, chunk_body, 0)

    @pl.when(wid < EXTRA_W)
    def _():
        tb = pl.multiple_of((base_blk + BLK_PER_W) * BLK, BLK)
        pltpu.sync_copy(pairs_hbm.at[:, pl.ds(tb, BLK)], tp_v)
        pltpu.sync_copy(d_hbm.at[pl.ds(tb, BLK)], td_v)

        def tail_body(vi, _):
            o = vi * L
            process([tp_v[0, pl.ds(o, L)]],
                    [tp_v[1, pl.ds(o, L)]],
                    [td_v[pl.ds(o, L)]])
            return 0

        lax.fori_loop(0, BLK // L, tail_body, 0)

    def fold_body(ci, _):
        o = ci * L
        res[pl.ds(o, L)] = acc[pl.ds(o, L)] * COULOMB_SCALE
        return 0

    lax.fori_loop(0, NUM_SYSTEMS // L, fold_body, 0)
    pltpu.sync_copy(res, out_hbm.at[wid])


def _combine_body(p_ref, o_ref):
    o_ref[...] = jnp.sum(p_ref[...], axis=0)


def kernel(per_atom_charge, d_ij, pair_indices, atomic_subsystem_indices):
    packed = (jax.lax.bitcast_convert_type(per_atom_charge, jnp.int32)
              & jnp.int32(~0x1FF)) | atomic_subsystem_indices
    partials = _sc_coulomb(packed, pair_indices, d_ij)
    total = pl.pallas_call(
        _combine_body,
        out_shape=jax.ShapeDtypeStruct((NUM_SYSTEMS,), jnp.float32),
    )(partials)
    return total[:, None]

# --- scband reference (transcript-rebuilt; emitter-appended) ---
"""Pipeline reference for scband-coulomb-potential-38062000177195 (READ-ONLY COPY).

The authoritative reference and input builder live on the scoring server;
editing this copy changes nothing except your own understanding.
"""

import jax, jax.numpy as jnp
import numpy as np

CUTOFF = 1.0
NUM_SYSTEMS = 512
N_ATOMS = 50000
N_PAIRS = 1600000


def physnet_attenuation(r, cutoff):
    # PhysNet smooth cutoff: phi(r) = 1 - 6x^5 + 15x^4 - 10x^3 for r < cutoff else 0
    x = r / cutoff
    phi = 1.0 - 6.0 * x**5 + 15.0 * x**4 - 10.0 * x**3
    return jnp.where(r < cutoff, phi, jnp.zeros_like(phi))


def setup_inputs(seed: int = 0) -> dict:
    key = jax.random.key(seed)
    k1, k2, k3, k4 = jax.random.split(key, 4)
    per_atom_charge = jax.random.normal(k1, (N_ATOMS,), dtype=jnp.float32) * 0.2
    pair_indices = jax.random.randint(k2, (2, N_PAIRS), 0, N_ATOMS, dtype=jnp.int32)
    atomic_subsystem_indices = jnp.sort(
        jax.random.randint(k3, (N_ATOMS,), 0, NUM_SYSTEMS, dtype=jnp.int32)
    )
    # distances in nm, bounded away from 0 to keep 1/r finite
    d_ij = jax.random.uniform(k4, (N_PAIRS,), dtype=jnp.float32, minval=0.05, maxval=1.2)
    return {
        "per_atom_charge": per_atom_charge,
        "d_ij": d_ij,
        "pair_indices": pair_indices,
        "atomic_subsystem_indices": atomic_subsystem_indices,
    }


def reference(per_atom_charge, d_ij, pair_indices, atomic_subsystem_indices):
    idx_i = pair_indices[0]
    idx_j = pair_indices[1]
    # unique pairs mask (i < j); static-shape version via where-masking
    unique_pairs_mask = idx_i < idx_j
    system_indices_of_pair = atomic_subsystem_indices[idx_i]
    q = per_atom_charge
    phi_2r = physnet_attenuation(2.0 * d_ij, CUTOFF)
    chi_r = phi_2r * (1.0 / jnp.sqrt(d_ij**2 + 1.0)) + (1.0 - phi_2r) * (1.0 / d_ij)
    coulomb = q[idx_i] * q[idx_j] * chi_r
    coulomb = jnp.where(unique_pairs_mask, coulomb, jnp.zeros_like(coulomb))
    electrostatic_energy = jax.ops.segment_sum(
        coulomb, system_indices_of_pair, num_segments=NUM_SYSTEMS
    )
    return (electrostatic_energy * 138.96)[:, None]

if __name__ == "__main__":
    import jax
    _d = setup_inputs()
    print(jax.jit(kernel)(*tuple(_d.values())))

</pallas_src>

<mosaic_0001>
#map = affine_map<(d0, d1) -> (0)>
#map1 = affine_map<(d0, d1) -> (0, 0)>
module attributes {stable_mosaic.version = 14 : i64} {
  func.func @_sc_coulomb(%arg0: i32, %arg1: i32, %arg2: memref<50000xi32, #tpu.memory_space<hbm>>, %arg3: memref<2x1600000xi32, #tpu.memory_space<hbm>>, %arg4: memref<1600000xf32, #tpu.memory_space<hbm>>, %arg5: memref<32x512xf32, #tpu.memory_space<hbm>>, %arg6: memref<50000xi32, #tpu.memory_space<vmem>>, %arg7: memref<512xf32, #tpu.memory_space<vmem>>, %arg8: memref<512xf32, #tpu.memory_space<vmem>>, %arg9: memref<2x2x4992xi32, #tpu.memory_space<vmem>>, %arg10: memref<9984xf32, #tpu.memory_space<vmem>>, %arg11: memref<2x128xi32, #tpu.memory_space<vmem>>, %arg12: memref<128xf32, #tpu.memory_space<vmem>>, %arg13: memref<!tpu.dma_semaphore, #tpu.memory_space<semaphore_mem>>) attributes {dimension_semantics = [#tpu.dimension_semantics<core_parallel>, #tpu.dimension_semantics<subcore_parallel>], iteration_bounds = array<i64: 2, 16>, scalar_prefetch = 0 : i64, scratch_operands = 8 : i64, tpu.core_type = #tpu.core_type<sc_vector_subcore>, window_params = [{transform_indices = #map}, {transform_indices = #map1}, {transform_indices = #map}, {transform_indices = #map1}]} {
    %mul3A = arith.constant 2 : i32
    %mul3A_0 = arith.muli %arg1, %mul3A : i32
    %add3A = arith.addi %mul3A_0, %arg0 : i32
    %mul3A_1 = arith.constant 390 : i32
    %mul3A_2 = arith.muli %add3A, %mul3A_1 : i32
    %min3A = arith.constant 20 : i32
    %min3A_3 = arith.minsi %add3A, %min3A : i32
    %add3A_4 = arith.addi %mul3A_2, %min3A_3 : i32
    %mul3A_5 = arith.constant 128 : i32
    %mul3A_6 = arith.muli %add3A_4, %mul3A_5 : i32
    tpu.enqueue_dma source(%arg2 : memref<50000xi32, #tpu.memory_space<hbm>>) target(%arg6 : memref<50000xi32, #tpu.memory_space<vmem>>) target_semaphore(%arg13 : memref<!tpu.dma_semaphore, #tpu.memory_space<semaphore_mem>>)
    %add3A_7 = arith.constant 0 : i32
    %add3A_8 = arith.addi %mul3A_6, %add3A_7 : i32
    %multiple_of3A = tpu.assume_multiple %add3A_8, 128 : i32
    %rem3A = arith.constant 0 : i32
    %rem3A_9 = arith.constant 2 : i32
    %rem3A_10 = arith.remsi %rem3A, %rem3A_9 : i32
    %dma_start3A = arith.constant 0 : i32
    %dma_start3A_11 = arith.constant 0 : i32
    %dma_start3A_12 = tpu.memref_slice %arg9[%rem3A_10, %dma_start3A, %dma_start3A_11] : memref<2x2x4992xi32, #tpu.memory_space<vmem>> -> memref<1x2x4992xi32, #tpu.memory_space<vmem>>
    %dma_start3A_13 = tpu.memref_squeeze %dma_start3A_12 : memref<1x2x4992xi32, #tpu.memory_space<vmem>> -> memref<2x4992xi32, #tpu.memory_space<vmem>>
    %dma_start3A_14 = arith.constant 0 : i32
    %dma_start3A_15 = tpu.memref_slice %arg3[%dma_start3A_14, %multiple_of3A] : memref<2x1600000xi32, #tpu.memory_space<hbm>> -> memref<2x4992xi32, #tpu.memory_space<hbm>>
    %dma_start3A_16 = arith.constant 0 : i32
    %dma_start3A_17 = arith.constant 0 : i32
    %dma_start3A_18 = tpu.memref_slice %arg9[%rem3A_10, %dma_start3A_16, %dma_start3A_17] : memref<2x2x4992xi32, #tpu.memory_space<vmem>> -> memref<1x2x4992xi32, #tpu.memory_space<vmem>>
    %dma_start3A_19 = tpu.memref_squeeze %dma_start3A_18 : memref<1x2x4992xi32, #tpu.memory_space<vmem>> -> memref<2x4992xi32, #tpu.memory_space<vmem>>
    %dma_start3A_20 = arith.constant 0 : i32
    %dma_start3A_21 = tpu.memref_slice %arg3[%dma_start3A_20, %multiple_of3A] : memref<2x1600000xi32, #tpu.memory_space<hbm>> -> memref<2x4992xi32, #tpu.memory_space<hbm>>
    tpu.enqueue_dma source(%dma_start3A_21 : memref<2x4992xi32, #tpu.memory_space<hbm>>) target(%dma_start3A_19 : memref<2x4992xi32, #tpu.memory_space<vmem>>) target_semaphore(%arg13 : memref<!tpu.dma_semaphore, #tpu.memory_space<semaphore_mem>>)
    %mul3A_22 = arith.constant 4992 : i32
    %mul3A_23 = arith.muli %rem3A_10, %mul3A_22 : i32
    %dma_start3A_24 = tpu.memref_slice %arg10[%mul3A_23] : memref<9984xf32, #tpu.memory_space<vmem>> -> memref<4992xf32, #tpu.memory_space<vmem>>
    %dma_start3A_25 = tpu.memref_slice %arg4[%multiple_of3A] : memref<1600000xf32, #tpu.memory_space<hbm>> -> memref<4992xf32, #tpu.memory_space<hbm>>
    %dma_start3A_26 = tpu.memref_slice %arg10[%mul3A_23] : memref<9984xf32, #tpu.memory_space<vmem>> -> memref<4992xf32, #tpu.memory_space<vmem>>
    %dma_start3A_27 = tpu.memref_slice %arg4[%multiple_of3A] : memref<1600000xf32, #tpu.memory_space<hbm>> -> memref<4992xf32, #tpu.memory_space<hbm>>
    tpu.enqueue_dma source(%dma_start3A_27 : memref<4992xf32, #tpu.memory_space<hbm>>) target(%dma_start3A_26 : memref<4992xf32, #tpu.memory_space<vmem>>) target_semaphore(%arg13 : memref<!tpu.dma_semaphore, #tpu.memory_space<semaphore_mem>>)
    %broadcast_in_dim3A = arith.constant 0.000000e+00 : f32
    %broadcast_in_dim3A_28 = vector.broadcast %broadcast_in_dim3A : f32 to vector<16xf32>
    %scan3A = arith.constant 0 : i32
    %scan3A_29 = arith.constant 0 : i32
    %scan3A_30 = arith.constant 32 : i32
    %scan3A_31 = arith.addi %scan3A_29, %scan3A_30 : i32
    %scan3A_32 = arith.constant 1 : i32
    %scan3A_33 = scf.for %scan3A_51 = %scan3A_29 to %scan3A_31 step %scan3A_32 iter_args(%scan3A_52 = %scan3A) -> (i32)  : i32 {
      %mul3A_53 = arith.constant 16 : i32
      %mul3A_54 = arith.muli %scan3A_51, %mul3A_53 : i32
      %swap3A = arith.index_cast %mul3A_54 : i32 to index
      %swap3A_55 = tpu.vector_load %arg7[%swap3A] {strides = array<i32>} : memref<512xf32, #tpu.memory_space<vmem>>, vector<16xf32>,
      tpu.vector_store %arg7[%swap3A], %broadcast_in_dim3A_28 {strides = array<i32>} : memref<512xf32, #tpu.memory_space<vmem>>, vector<16xf32>,
      %scan3A_56 = arith.constant 0 : i32
      scf.yield %scan3A_56 : i32
    }
    %scan3A_34 = arith.constant 32 : i32
    tpu.wait_dma2 semaphore(%arg13 : memref<!tpu.dma_semaphore, #tpu.memory_space<semaphore_mem>>) src(%arg2 : memref<50000xi32, #tpu.memory_space<hbm>>) dst(%arg6 : memref<50000xi32, #tpu.memory_space<vmem>>)
    %scan3A_35 = arith.constant 0 : i32
    %scan3A_36 = arith.constant 0 : i32
    %scan3A_37 = arith.constant 10 : i32
    %scan3A_38 = arith.addi %scan3A_36, %scan3A_37 : i32
    %scan3A_39 = arith.constant 1 : i32
    %scan3A_40 = scf.for %scan3A_51 = %scan3A_36 to %scan3A_38 step %scan3A_39 iter_args(%scan3A_52 = %scan3A_35) -> (i32)  : i32 {
      %mul3A_53 = arith.constant 4992 : i32
      %mul3A_54 = arith.muli %scan3A_51, %mul3A_53 : i32
      %add3A_55 = arith.addi %mul3A_6, %mul3A_54 : i32
      %multiple_of3A_56 = tpu.assume_multiple %add3A_55, 128 : i32
      %rem3A_57 = arith.constant 2 : i32
      %rem3A_58 = arith.remsi %scan3A_51, %rem3A_57 : i32
      %dma_wait3A = arith.constant 0 : i32
      %dma_wait3A_59 = arith.constant 0 : i32
      %dma_wait3A_60 = tpu.memref_slice %arg9[%rem3A_58, %dma_wait3A, %dma_wait3A_59] : memref<2x2x4992xi32, #tpu.memory_space<vmem>> -> memref<1x2x4992xi32, #tpu.memory_space<vmem>>
      %dma_wait3A_61 = tpu.memref_squeeze %dma_wait3A_60 : memref<1x2x4992xi32, #tpu.memory_space<vmem>> -> memref<2x4992xi32, #tpu.memory_space<vmem>>
      %dma_wait3A_62 = arith.constant 0 : i32
      %dma_wait3A_63 = tpu.memref_slice %arg3[%dma_wait3A_62, %multiple_of3A_56] : memref<2x1600000xi32, #tpu.memory_space<hbm>> -> memref<2x4992xi32, #tpu.memory_space<hbm>>
      %dma_wait3A_64 = arith.constant 0 : i32
      %dma_wait3A_65 = arith.constant 0 : i32
      %dma_wait3A_66 = tpu.memref_slice %arg9[%rem3A_58, %dma_wait3A_64, %dma_wait3A_65] : memref<2x2x4992xi32, #tpu.memory_space<vmem>> -> memref<1x2x4992xi32, #tpu.memory_space<vmem>>
      %dma_wait3A_67 = tpu.memref_squeeze %dma_wait3A_66 : memref<1x2x4992xi32, #tpu.memory_space<vmem>> -> memref<2x4992xi32, #tpu.memory_space<vmem>>
      %dma_wait3A_68 = arith.constant 0 : i32
      %dma_wait3A_69 = tpu.memref_slice %arg3[%dma_wait3A_68, %multiple_of3A_56] : memref<2x1600000xi32, #tpu.memory_space<hbm>> -> memref<2x4992xi32, #tpu.memory_space<hbm>>
      tpu.wait_dma2 semaphore(%arg13 : memref<!tpu.dma_semaphore, #tpu.memory_space<semaphore_mem>>) src(%dma_wait3A_69 : memref<2x4992xi32, #tpu.memory_space<hbm>>) dst(%dma_wait3A_67 : memref<2x4992xi32, #tpu.memory_space<vmem>>)
      %mul3A_70 = arith.constant 4992 : i32
      %mul3A_71 = arith.muli %rem3A_58, %mul3A_70 : i32
      %dma_wait3A_72 = tpu.memref_slice %arg10[%mul3A_71] : memref<9984xf32, #tpu.memory_space<vmem>> -> memref<4992xf32, #tpu.memory_space<vmem>>
      %dma_wait3A_73 = tpu.memref_slice %arg4[%multiple_of3A_56] : memref<1600000xf32, #tpu.memory_space<hbm>> -> memref<4992xf32, #tpu.memory_space<hbm>>
      %dma_wait3A_74 = tpu.memref_slice %arg10[%mul3A_71] : memref<9984xf32, #tpu.memory_space<vmem>> -> memref<4992xf32, #tpu.memory_space<vmem>>
      %dma_wait3A_75 = tpu.memref_slice %arg4[%multiple_of3A_56] : memref<1600000xf32, #tpu.memory_space<hbm>> -> memref<4992xf32, #tpu.memory_space<hbm>>
      tpu.wait_dma2 semaphore(%arg13 : memref<!tpu.dma_semaphore, #tpu.memory_space<semaphore_mem>>) src(%dma_wait3A_75 : memref<4992xf32, #tpu.memory_space<hbm>>) dst(%dma_wait3A_74 : memref<4992xf32, #tpu.memory_space<vmem>>)
      %add3A_76 = arith.constant 1 : i32
      %add3A_77 = arith.addi %scan3A_51, %add3A_76 : i32
      %lt3A_78 = arith.constant 10 : i32
      %lt3A_79 = arith.cmpi slt, %add3A_77, %lt3A_78 : i32
      %convert_element_type3A_80 = arith.extui %lt3A_79 : i1 to i32
      %cond3A_81 = arith.constant 0 : i32
      %cond3A_82 = arith.cmpi ne, %convert_element_type3A_80, %cond3A_81 : i32
      scf.if %cond3A_82 {
        %add3A_90 = arith.constant 1 : i32
        %add3A_91 = arith.addi %scan3A_51, %add3A_90 : i32
        %mul3A_92 = arith.constant 4992 : i32
        %mul3A_93 = arith.muli %add3A_91, %mul3A_92 : i32
        %add3A_94 = arith.addi %mul3A_6, %mul3A_93 : i32
        %multiple_of3A_95 = tpu.assume_multiple %add3A_94, 128 : i32
        %rem3A_96 = arith.constant 2 : i32
        %rem3A_97 = arith.remsi %add3A_91, %rem3A_96 : i32
        %dma_start3A_98 = arith.constant 0 : i32
        %dma_start3A_99 = arith.constant 0 : i32
        %dma_start3A_100 = tpu.memref_slice %arg9[%rem3A_97, %dma_start3A_98, %dma_start3A_99] : memref<2x2x4992xi32, #tpu.memory_space<vmem>> -> memref<1x2x4992xi32, #tpu.memory_space<vmem>>
        %dma_start3A_101 = tpu.memref_squeeze %dma_start3A_100 : memref<1x2x4992xi32, #tpu.memory_space<vmem>> -> memref<2x4992xi32, #tpu.memory_space<vmem>>
        %dma_start3A_102 = arith.constant 0 : i32
        %dma_start3A_103 = tpu.memref_slice %arg3[%dma_start3A_102, %multiple_of3A_95] : memref<2x1600000xi32, #tpu.memory_space<hbm>> -> memref<2x4992xi32, #tpu.memory_space<hbm>>
        %dma_start3A_104 = arith.constant 0 : i32
        %dma_start3A_105 = arith.constant 0 : i32
        %dma_start3A_106 = tpu.memref_slice %arg9[%rem3A_97, %dma_start3A_104, %dma_start3A_105] : memref<2x2x4992xi32, #tpu.memory_space<vmem>> -> memref<1x2x4992xi32, #tpu.memory_space<vmem>>
        %dma_start3A_107 = tpu.memref_squeeze %dma_start3A_106 : memref<1x2x4992xi32, #tpu.memory_space<vmem>> -> memref<2x4992xi32, #tpu.memory_space<vmem>>
        %dma_start3A_108 = arith.constant 0 : i32
        %dma_start3A_109 = tpu.memref_slice %arg3[%dma_start3A_108, %multiple_of3A_95] : memref<2x1600000xi32, #tpu.memory_space<hbm>> -> memref<2x4992xi32, #tpu.memory_space<hbm>>
        tpu.enqueue_dma source(%dma_start3A_109 : memref<2x4992xi32, #tpu.memory_space<hbm>>) target(%dma_start3A_107 : memref<2x4992xi32, #tpu.memory_space<vmem>>) target_semaphore(%arg13 : memref<!tpu.dma_semaphore, #tpu.memory_space<semaphore_mem>>)
        %mul3A_110 = arith.constant 4992 : i32
        %mul3A_111 = arith.muli %rem3A_97, %mul3A_110 : i32
        %dma_start3A_112 = tpu.memref_slice %arg10[%mul3A_111] : memref<9984xf32, #tpu.memory_space<vmem>> -> memref<4992xf32, #tpu.memory_space<vmem>>
        %dma_start3A_113 = tpu.memref_slice %arg4[%multiple_of3A_95] : memref<1600000xf32, #tpu.memory_space<hbm>> -> memref<4992xf32, #tpu.memory_space<hbm>>
        %dma_start3A_114 = tpu.memref_slice %arg10[%mul3A_111] : memref<9984xf32, #tpu.memory_space<vmem>> -> memref<4992xf32, #tpu.memory_space<vmem>>
        %dma_start3A_115 = tpu.memref_slice %arg4[%multiple_of3A_95] : memref<1600000xf32, #tpu.memory_space<hbm>> -> memref<4992xf32, #tpu.memory_space<hbm>>
        tpu.enqueue_dma source(%dma_start3A_115 : memref<4992xf32, #tpu.memory_space<hbm>>) target(%dma_start3A_114 : memref<4992xf32, #tpu.memory_space<vmem>>) target_semaphore(%arg13 : memref<!tpu.dma_semaphore, #tpu.memory_space<semaphore_mem>>)
      } else {
      }
      %rem3A_83 = arith.constant 2 : i32
      %rem3A_84 = arith.remsi %scan3A_51, %rem3A_83 : i32
      %mul3A_85 = arith.constant 4992 : i32
      %mul3A_86 = arith.muli %rem3A_84, %mul3A_85 : i32
      %parallel_loop3A = arith.constant 0 : i32
      %parallel_loop3A_87 = arith.constant 52 : i32
      %parallel_loop3A_88 = arith.constant 1 : i32
      scf.for %parallel_loop3A_90 = %parallel_loop3A to %parallel_loop3A_87 step %parallel_loop3A_88  : i32 {
        %parallel_loop3A_91 = arith.constant 96 : i32
        %parallel_loop3A_92 = arith.muli %parallel_loop3A_90, %parallel_loop3A_91 : i32
        %parallel_loop3A_93 = arith.constant 0 : i32
        %parallel_loop3A_94 = arith.addi %parallel_loop3A_92, %parallel_loop3A_93 : i32
        %parallel_loop3A_95 = arith.constant 0 : i32
        %parallel_loop3A_96 = arith.index_cast %rem3A_84 : i32 to index
        %parallel_loop3A_97 = arith.index_cast %parallel_loop3A_95 : i32 to index
        %parallel_loop3A_98 = arith.index_cast %parallel_loop3A_94 : i32 to index
        %parallel_loop3A_99 = tpu.vector_load %arg9[%parallel_loop3A_96, %parallel_loop3A_97, %parallel_loop3A_98] {strides = array<i32>} : memref<2x2x4992xi32, #tpu.memory_space<vmem>>, vector<16xi32>,
        %parallel_loop3A_100 = arith.constant 16 : i32
        %parallel_loop3A_101 = arith.addi %parallel_loop3A_92, %parallel_loop3A_100 : i32
        %parallel_loop3A_102 = arith.constant 0 : i32
        %parallel_loop3A_103 = arith.index_cast %rem3A_84 : i32 to index
        %parallel_loop3A_104 = arith.index_cast %parallel_loop3A_102 : i32 to index
        %parallel_loop3A_105 = arith.index_cast %parallel_loop3A_101 : i32 to index
        %parallel_loop3A_106 = tpu.vector_load %arg9[%parallel_loop3A_103, %parallel_loop3A_104, %parallel_loop3A_105] {strides = array<i32>} : memref<2x2x4992xi32, #tpu.memory_space<vmem>>, vector<16xi32>,
        %parallel_loop3A_107 = arith.constant 32 : i32
        %parallel_loop3A_108 = arith.addi %parallel_loop3A_92, %parallel_loop3A_107 : i32
        %parallel_loop3A_109 = arith.constant 0 : i32
        %parallel_loop3A_110 = arith.index_cast %rem3A_84 : i32 to index
        %parallel_loop3A_111 = arith.index_cast %parallel_loop3A_109 : i32 to index
        %parallel_loop3A_112 = arith.index_cast %parallel_loop3A_108 : i32 to index
        %parallel_loop3A_113 = tpu.vector_load %arg9[%parallel_loop3A_110, %parallel_loop3A_111, %parallel_loop3A_112] {strides = array<i32>} : memref<2x2x4992xi32, #tpu.memory_space<vmem>>, vector<16xi32>,
        %parallel_loop3A_114 = arith.constant 48 : i32
        %parallel_loop3A_115 = arith.addi %parallel_loop3A_92, %parallel_loop3A_114 : i32
        %parallel_loop3A_116 = arith.constant 0 : i32
        %parallel_loop3A_117 = arith.index_cast %rem3A_84 : i32 to index
        %parallel_loop3A_118 = arith.index_cast %parallel_loop3A_116 : i32 to index
        %parallel_loop3A_119 = arith.index_cast %parallel_loop3A_115 : i32 to index
        %parallel_loop3A_120 = tpu.vector_load %arg9[%parallel_loop3A_117, %parallel_loop3A_118, %parallel_loop3A_119] {strides = array<i32>} : memref<2x2x4992xi32, #tpu.memory_space<vmem>>, vector<16xi32>,
        %parallel_loop3A_121 = arith.constant 64 : i32
        %parallel_loop3A_122 = arith.addi %parallel_loop3A_92, %parallel_loop3A_121 : i32
        %parallel_loop3A_123 = arith.constant 0 : i32
        %parallel_loop3A_124 = arith.index_cast %rem3A_84 : i32 to index
        %parallel_loop3A_125 = arith.index_cast %parallel_loop3A_123 : i32 to index
        %parallel_loop3A_126 = arith.index_cast %parallel_loop3A_122 : i32 to index
        %parallel_loop3A_127 = tpu.vector_load %arg9[%parallel_loop3A_124, %parallel_loop3A_125, %parallel_loop3A_126] {strides = array<i32>} : memref<2x2x4992xi32, #tpu.memory_space<vmem>>, vector<16xi32>,
        %parallel_loop3A_128 = arith.constant 80 : i32
        %parallel_loop3A_129 = arith.addi %parallel_loop3A_92, %parallel_loop3A_128 : i32
        %parallel_loop3A_130 = arith.constant 0 : i32
        %parallel_loop3A_131 = arith.index_cast %rem3A_84 : i32 to index
        %parallel_loop3A_132 = arith.index_cast %parallel_loop3A_130 : i32 to index
        %parallel_loop3A_133 = arith.index_cast %parallel_loop3A_129 : i32 to index
        %parallel_loop3A_134 = tpu.vector_load %arg9[%parallel_loop3A_131, %parallel_loop3A_132, %parallel_loop3A_133] {strides = array<i32>} : memref<2x2x4992xi32, #tpu.memory_space<vmem>>, vector<16xi32>,
        %parallel_loop3A_135 = arith.constant 0 : i32
        %parallel_loop3A_136 = arith.addi %parallel_loop3A_92, %parallel_loop3A_135 : i32
        %parallel_loop3A_137 = arith.constant 1 : i32
        %parallel_loop3A_138 = arith.index_cast %rem3A_84 : i32 to index
        %parallel_loop3A_139 = arith.index_cast %parallel_loop3A_137 : i32 to index
        %parallel_loop3A_140 = arith.index_cast %parallel_loop3A_136 : i32 to index
        %parallel_loop3A_141 = tpu.vector_load %arg9[%parallel_loop3A_138, %parallel_loop3A_139, %parallel_loop3A_140] {strides = array<i32>} : memref<2x2x4992xi32, #tpu.memory_space<vmem>>, vector<16xi32>,
        %parallel_loop3A_142 = arith.constant 16 : i32
        %parallel_loop3A_143 = arith.addi %parallel_loop3A_92, %parallel_loop3A_142 : i32
        %parallel_loop3A_144 = arith.constant 1 : i32
        %parallel_loop3A_145 = arith.index_cast %rem3A_84 : i32 to index
        %parallel_loop3A_146 = arith.index_cast %parallel_loop3A_144 : i32 to index
        %parallel_loop3A_147 = arith.index_cast %parallel_loop3A_143 : i32 to index
        %parallel_loop3A_148 = tpu.vector_load %arg9[%parallel_loop3A_145, %parallel_loop3A_146, %parallel_loop3A_147] {strides = array<i32>} : memref<2x2x4992xi32, #tpu.memory_space<vmem>>, vector<16xi32>,
        %parallel_loop3A_149 = arith.constant 32 : i32
        %parallel_loop3A_150 = arith.addi %parallel_loop3A_92, %parallel_loop3A_149 : i32
        %parallel_loop3A_151 = arith.constant 1 : i32
        %parallel_loop3A_152 = arith.index_cast %rem3A_84 : i32 to index
        %parallel_loop3A_153 = arith.index_cast %parallel_loop3A_151 : i32 to index
        %parallel_loop3A_154 = arith.index_cast %parallel_loop3A_150 : i32 to index
        %parallel_loop3A_155 = tpu.vector_load %arg9[%parallel_loop3A_152, %parallel_loop3A_153, %parallel_loop3A_154] {strides = array<i32>} : memref<2x2x4992xi32, #tpu.memory_space<vmem>>, vector<16xi32>,
        %parallel_loop3A_156 = arith.constant 48 : i32
        %parallel_loop3A_157 = arith.addi %parallel_loop3A_92, %parallel_loop3A_156 : i32
        %parallel_loop3A_158 = arith.constant 1 : i32
        %parallel_loop3A_159 = arith.index_cast %rem3A_84 : i32 to index
        %parallel_loop3A_160 = arith.index_cast %parallel_loop3A_158 : i32 to index
        %parallel_loop3A_161 = arith.index_cast %parallel_loop3A_157 : i32 to index
        %parallel_loop3A_162 = tpu.vector_load %arg9[%parallel_loop3A_159, %parallel_loop3A_160, %parallel_loop3A_161] {strides = array<i32>} : memref<2x2x4992xi32, #tpu.memory_space<vmem>>, vector<16xi32>,
        %parallel_loop3A_163 = arith.constant 64 : i32
        %parallel_loop3A_164 = arith.addi %parallel_loop3A_92, %parallel_loop3A_163 : i32
        %parallel_loop3A_165 = arith.constant 1 : i32
        %parallel_loop3A_166 = arith.index_cast %rem3A_84 : i32 to index
        %parallel_loop3A_167 = arith.index_cast %parallel_loop3A_165 : i32 to index
        %parallel_loop3A_168 = arith.index_cast %parallel_loop3A_164 : i32 to index
        %parallel_loop3A_169 = tpu.vector_load %arg9[%parallel_loop3A_166, %parallel_loop3A_167, %parallel_loop3A_168] {strides = array<i32>} : memref<2x2x4992xi32, #tpu.memory_space<vmem>>, vector<16xi32>,
        %parallel_loop3A_170 = arith.constant 80 : i32
        %parallel_loop3A_171 = arith.addi %parallel_loop3A_92, %parallel_loop3A_170 : i32
        %parallel_loop3A_172 = arith.constant 1 : i32
        %parallel_loop3A_173 = arith.index_cast %rem3A_84 : i32 to index
        %parallel_loop3A_174 = arith.index_cast %parallel_loop3A_172 : i32 to index
        %parallel_loop3A_175 = arith.index_cast %parallel_loop3A_171 : i32 to index
        %parallel_loop3A_176 = tpu.vector_load %arg9[%parallel_loop3A_173, %parallel_loop3A_174, %parallel_loop3A_175] {strides = array<i32>} : memref<2x2x4992xi32, #tpu.memory_space<vmem>>, vector<16xi32>,
        %parallel_loop3A_177 = arith.addi %mul3A_86, %parallel_loop3A_92 : i32
        %parallel_loop3A_178 = arith.constant 0 : i32
        %parallel_loop3A_179 = arith.addi %parallel_loop3A_177, %parallel_loop3A_178 : i32
        %parallel_loop3A_180 = arith.index_cast %parallel_loop3A_179 : i32 to index
        %parallel_loop3A_181 = tpu.vector_load %arg10[%parallel_loop3A_180] {strides = array<i32>} : memref<9984xf32, #tpu.memory_space<vmem>>, vector<16xf32>,
        %parallel_loop3A_182 = arith.addi %mul3A_86, %parallel_loop3A_92 : i32
        %parallel_loop3A_183 = arith.constant 16 : i32
        %parallel_loop3A_184 = arith.addi %parallel_loop3A_182, %parallel_loop3A_183 : i32
        %parallel_loop3A_185 = arith.index_cast %parallel_loop3A_184 : i32 to index
        %parallel_loop3A_186 = tpu.vector_load %arg10[%parallel_loop3A_185] {strides = array<i32>} : memref<9984xf32, #tpu.memory_space<vmem>>, vector<16xf32>,
        %parallel_loop3A_187 = arith.addi %mul3A_86, %parallel_loop3A_92 : i32
        %parallel_loop3A_188 = arith.constant 32 : i32
        %parallel_loop3A_189 = arith.addi %parallel_loop3A_187, %parallel_loop3A_188 : i32
        %parallel_loop3A_190 = arith.index_cast %parallel_loop3A_189 : i32 to index
        %parallel_loop3A_191 = tpu.vector_load %arg10[%parallel_loop3A_190] {strides = array<i32>} : memref<9984xf32, #tpu.memory_space<vmem>>, vector<16xf32>,
        %parallel_loop3A_192 = arith.addi %mul3A_86, %parallel_loop3A_92 : i32
        %parallel_loop3A_193 = arith.constant 48 : i32
        %parallel_loop3A_194 = arith.addi %parallel_loop3A_192, %parallel_loop3A_193 : i32
        %parallel_loop3A_195 = arith.index_cast %parallel_loop3A_194 : i32 to index
        %parallel_loop3A_196 = tpu.vector_load %arg10[%parallel_loop3A_195] {strides = array<i32>} : memref<9984xf32, #tpu.memory_space<vmem>>, vector<16xf32>,
        %parallel_loop3A_197 = arith.addi %mul3A_86, %parallel_loop3A_92 : i32
        %parallel_loop3A_198 = arith.constant 64 : i32
        %parallel_loop3A_199 = arith.addi %parallel_loop3A_197, %parallel_loop3A_198 : i32
        %parallel_loop3A_200 = arith.index_cast %parallel_loop3A_199 : i32 to index
        %parallel_loop3A_201 = tpu.vector_load %arg10[%parallel_loop3A_200] {strides = array<i32>} : memref<9984xf32, #tpu.memory_space<vmem>>, vector<16xf32>,
        %parallel_loop3A_202 = arith.addi %mul3A_86, %parallel_loop3A_92 : i32
        %parallel_loop3A_203 = arith.constant 80 : i32
        %parallel_loop3A_204 = arith.addi %parallel_loop3A_202, %parallel_loop3A_203 : i32
        %parallel_loop3A_205 = arith.index_cast %parallel_loop3A_204 : i32 to index
        %parallel_loop3A_206 = tpu.vector_load %arg10[%parallel_loop3A_205] {strides = array<i32>} : memref<9984xf32, #tpu.memory_space<vmem>>, vector<16xf32>,
        %parallel_loop3A_207 = arith.constant 1.000000e+00 : f32
        %parallel_loop3A_208 = vector.broadcast %parallel_loop3A_207 : f32 to vector<16xf32>
        %parallel_loop3A_209 = arith.divf %parallel_loop3A_208, %parallel_loop3A_181 : vector<16xf32>
        %parallel_loop3A_210 = arith.constant 1.000000e+00 : f32
        %parallel_loop3A_211 = vector.broadcast %parallel_loop3A_210 : f32 to vector<16xf32>
        %parallel_loop3A_212 = arith.divf %parallel_loop3A_211, %parallel_loop3A_186 : vector<16xf32>
        %parallel_loop3A_213 = arith.constant 1.000000e+00 : f32
        %parallel_loop3A_214 = vector.broadcast %parallel_loop3A_213 : f32 to vector<16xf32>
        %parallel_loop3A_215 = arith.divf %parallel_loop3A_214, %parallel_loop3A_191 : vector<16xf32>
        %parallel_loop3A_216 = arith.constant 1.000000e+00 : f32
        %parallel_loop3A_217 = vector.broadcast %parallel_loop3A_216 : f32 to vector<16xf32>
        %parallel_loop3A_218 = arith.divf %parallel_loop3A_217, %parallel_loop3A_196 : vector<16xf32>
        %parallel_loop3A_219 = arith.constant 1.000000e+00 : f32
        %parallel_loop3A_220 = vector.broadcast %parallel_loop3A_219 : f32 to vector<16xf32>
        %parallel_loop3A_221 = arith.divf %parallel_loop3A_220, %parallel_loop3A_201 : vector<16xf32>
        %parallel_loop3A_222 = arith.constant 1.000000e+00 : f32
        %parallel_loop3A_223 = vector.broadcast %parallel_loop3A_222 : f32 to vector<16xf32>
        %parallel_loop3A_224 = arith.divf %parallel_loop3A_223, %parallel_loop3A_206 : vector<16xf32>
        %parallel_loop3A_225 = tpu.vector_load_idx %arg6[%parallel_loop3A_99] : memref<50000xi32, #tpu.memory_space<vmem>>[vector<16xi32>], vector<16xi32>,
        %parallel_loop3A_226 = tpu.vector_load_idx %arg6[%parallel_loop3A_106] : memref<50000xi32, #tpu.memory_space<vmem>>[vector<16xi32>], vector<16xi32>,
        %parallel_loop3A_227 = tpu.vector_load_idx %arg6[%parallel_loop3A_113] : memref<50000xi32, #tpu.memory_space<vmem>>[vector<16xi32>], vector<16xi32>,
        %parallel_loop3A_228 = tpu.vector_load_idx %arg6[%parallel_loop3A_120] : memref<50000xi32, #tpu.memory_space<vmem>>[vector<16xi32>], vector<16xi32>,
        %parallel_loop3A_229 = tpu.vector_load_idx %arg6[%parallel_loop3A_127] : memref<50000xi32, #tpu.memory_space<vmem>>[vector<16xi32>], vector<16xi32>,
        %parallel_loop3A_230 = tpu.vector_load_idx %arg6[%parallel_loop3A_134] : memref<50000xi32, #tpu.memory_space<vmem>>[vector<16xi32>], vector<16xi32>,
        %parallel_loop3A_231 = tpu.vector_load_idx %arg6[%parallel_loop3A_141] : memref<50000xi32, #tpu.memory_space<vmem>>[vector<16xi32>], vector<16xi32>,
        %parallel_loop3A_232 = tpu.vector_load_idx %arg6[%parallel_loop3A_148] : memref<50000xi32, #tpu.memory_space<vmem>>[vector<16xi32>], vector<16xi32>,
        %parallel_loop3A_233 = tpu.vector_load_idx %arg6[%parallel_loop3A_155] : memref<50000xi32, #tpu.memory_space<vmem>>[vector<16xi32>], vector<16xi32>,
        %parallel_loop3A_234 = tpu.vector_load_idx %arg6[%parallel_loop3A_162] : memref<50000xi32, #tpu.memory_space<vmem>>[vector<16xi32>], vector<16xi32>,
        %parallel_loop3A_235 = tpu.vector_load_idx %arg6[%parallel_loop3A_169] : memref<50000xi32, #tpu.memory_space<vmem>>[vector<16xi32>], vector<16xi32>,
        %parallel_loop3A_236 = tpu.vector_load_idx %arg6[%parallel_loop3A_176] : memref<50000xi32, #tpu.memory_space<vmem>>[vector<16xi32>], vector<16xi32>,
        %parallel_loop3A_237 = arith.constant 511 : i32
        %parallel_loop3A_238 = vector.broadcast %parallel_loop3A_237 : i32 to vector<16xi32>
        %parallel_loop3A_239 = arith.andi %parallel_loop3A_225, %parallel_loop3A_238 : vector<16xi32>
        %parallel_loop3A_240 = arith.constant 511 : i32
        %parallel_loop3A_241 = vector.broadcast %parallel_loop3A_240 : i32 to vector<16xi32>
        %parallel_loop3A_242 = arith.andi %parallel_loop3A_226, %parallel_loop3A_241 : vector<16xi32>
        %parallel_loop3A_243 = arith.constant 511 : i32
        %parallel_loop3A_244 = vector.broadcast %parallel_loop3A_243 : i32 to vector<16xi32>
        %parallel_loop3A_245 = arith.andi %parallel_loop3A_227, %parallel_loop3A_244 : vector<16xi32>
        %parallel_loop3A_246 = arith.constant 511 : i32
        %parallel_loop3A_247 = vector.broadcast %parallel_loop3A_246 : i32 to vector<16xi32>
        %parallel_loop3A_248 = arith.andi %parallel_loop3A_228, %parallel_loop3A_247 : vector<16xi32>
        %parallel_loop3A_249 = arith.constant 511 : i32
        %parallel_loop3A_250 = vector.broadcast %parallel_loop3A_249 : i32 to vector<16xi32>
        %parallel_loop3A_251 = arith.andi %parallel_loop3A_229, %parallel_loop3A_250 : vector<16xi32>
        %parallel_loop3A_252 = arith.constant 511 : i32
        %parallel_loop3A_253 = vector.broadcast %parallel_loop3A_252 : i32 to vector<16xi32>
        %parallel_loop3A_254 = arith.andi %parallel_loop3A_230, %parallel_loop3A_253 : vector<16xi32>
        %parallel_loop3A_255 = arith.constant 511 : i32
        %parallel_loop3A_256 = vector.broadcast %parallel_loop3A_255 : i32 to vector<16xi32>
        %parallel_loop3A_257 = arith.andi %parallel_loop3A_231, %parallel_loop3A_256 : vector<16xi32>
        %parallel_loop3A_258 = arith.constant 511 : i32
        %parallel_loop3A_259 = vector.broadcast %parallel_loop3A_258 : i32 to vector<16xi32>
        %parallel_loop3A_260 = arith.andi %parallel_loop3A_232, %parallel_loop3A_259 : vector<16xi32>
        %parallel_loop3A_261 = arith.constant 511 : i32
        %parallel_loop3A_262 = vector.broadcast %parallel_loop3A_261 : i32 to vector<16xi32>
        %parallel_loop3A_263 = arith.andi %parallel_loop3A_233, %parallel_loop3A_262 : vector<16xi32>
        %parallel_loop3A_264 = arith.constant 511 : i32
        %parallel_loop3A_265 = vector.broadcast %parallel_loop3A_264 : i32 to vector<16xi32>
        %parallel_loop3A_266 = arith.andi %parallel_loop3A_234, %parallel_loop3A_265 : vector<16xi32>
        %parallel_loop3A_267 = arith.constant 511 : i32
        %parallel_loop3A_268 = vector.broadcast %parallel_loop3A_267 : i32 to vector<16xi32>
        %parallel_loop3A_269 = arith.andi %parallel_loop3A_235, %parallel_loop3A_268 : vector<16xi32>
        %parallel_loop3A_270 = arith.constant 511 : i32
        %parallel_loop3A_271 = vector.broadcast %parallel_loop3A_270 : i32 to vector<16xi32>
        %parallel_loop3A_272 = arith.andi %parallel_loop3A_236, %parallel_loop3A_271 : vector<16xi32>
        %parallel_loop3A_273 = arith.xori %parallel_loop3A_225, %parallel_loop3A_239 : vector<16xi32>
        %parallel_loop3A_274 = vector.bitcast %parallel_loop3A_273 : vector<16xi32> to vector<16xf32>
        %parallel_loop3A_275 = arith.xori %parallel_loop3A_226, %parallel_loop3A_242 : vector<16xi32>
        %parallel_loop3A_276 = vector.bitcast %parallel_loop3A_275 : vector<16xi32> to vector<16xf32>
        %parallel_loop3A_277 = arith.xori %parallel_loop3A_227, %parallel_loop3A_245 : vector<16xi32>
        %parallel_loop3A_278 = vector.bitcast %parallel_loop3A_277 : vector<16xi32> to vector<16xf32>
        %parallel_loop3A_279 = arith.xori %parallel_loop3A_228, %parallel_loop3A_248 : vector<16xi32>
        %parallel_loop3A_280 = vector.bitcast %parallel_loop3A_279 : vector<16xi32> to vector<16xf32>
        %parallel_loop3A_281 = arith.xori %parallel_loop3A_229, %parallel_loop3A_251 : vector<16xi32>
        %parallel_loop3A_282 = vector.bitcast %parallel_loop3A_281 : vector<16xi32> to vector<16xf32>
        %parallel_loop3A_283 = arith.xori %parallel_loop3A_230, %parallel_loop3A_254 : vector<16xi32>
        %parallel_loop3A_284 = vector.bitcast %parallel_loop3A_283 : vector<16xi32> to vector<16xf32>
        %parallel_loop3A_285 = arith.xori %parallel_loop3A_231, %parallel_loop3A_257 : vector<16xi32>
        %parallel_loop3A_286 = vector.bitcast %parallel_loop3A_285 : vector<16xi32> to vector<16xf32>
        %parallel_loop3A_287 = arith.xori %parallel_loop3A_232, %parallel_loop3A_260 : vector<16xi32>
        %parallel_loop3A_288 = vector.bitcast %parallel_loop3A_287 : vector<16xi32> to vector<16xf32>
        %parallel_loop3A_289 = arith.xori %parallel_loop3A_233, %parallel_loop3A_263 : vector<16xi32>
        %parallel_loop3A_290 = vector.bitcast %parallel_loop3A_289 : vector<16xi32> to vector<16xf32>
        %parallel_loop3A_291 = arith.xori %parallel_loop3A_234, %parallel_loop3A_266 : vector<16xi32>
        %parallel_loop3A_292 = vector.bitcast %parallel_loop3A_291 : vector<16xi32> to vector<16xf32>
        %parallel_loop3A_293 = arith.xori %parallel_loop3A_235, %parallel_loop3A_269 : vector<16xi32>
        %parallel_loop3A_294 = vector.bitcast %parallel_loop3A_293 : vector<16xi32> to vector<16xf32>
        %parallel_loop3A_295 = arith.xori %parallel_loop3A_236, %parallel_loop3A_272 : vector<16xi32>
        %parallel_loop3A_296 = vector.bitcast %parallel_loop3A_295 : vector<16xi32> to vector<16xf32>
        %parallel_loop3A_297 = arith.mulf %parallel_loop3A_181, %parallel_loop3A_181 : vector<16xf32>
        %parallel_loop3A_298 = arith.mulf %parallel_loop3A_186, %parallel_loop3A_186 : vector<16xf32>
        %parallel_loop3A_299 = arith.mulf %parallel_loop3A_191, %parallel_loop3A_191 : vector<16xf32>
        %parallel_loop3A_300 = arith.mulf %parallel_loop3A_196, %parallel_loop3A_196 : vector<16xf32>
        %parallel_loop3A_301 = arith.mulf %parallel_loop3A_201, %parallel_loop3A_201 : vector<16xf32>
        %parallel_loop3A_302 = arith.mulf %parallel_loop3A_206, %parallel_loop3A_206 : vector<16xf32>
        %parallel_loop3A_303 = arith.constant 1.920000e+02 : f32
        %parallel_loop3A_304 = vector.broadcast %parallel_loop3A_303 : f32 to vector<16xf32>
        %parallel_loop3A_305 = arith.mulf %parallel_loop3A_304, %parallel_loop3A_181 : vector<16xf32>
        %parallel_loop3A_306 = arith.constant 2.400000e+02 : f32
        %parallel_loop3A_307 = vector.broadcast %parallel_loop3A_306 : f32 to vector<16xf32>
        %parallel_loop3A_308 = arith.subf %parallel_loop3A_307, %parallel_loop3A_305 : vector<16xf32>
        %parallel_loop3A_309 = arith.constant 1.920000e+02 : f32
        %parallel_loop3A_310 = vector.broadcast %parallel_loop3A_309 : f32 to vector<16xf32>
        %parallel_loop3A_311 = arith.mulf %parallel_loop3A_310, %parallel_loop3A_186 : vector<16xf32>
        %parallel_loop3A_312 = arith.constant 2.400000e+02 : f32
        %parallel_loop3A_313 = vector.broadcast %parallel_loop3A_312 : f32 to vector<16xf32>
        %parallel_loop3A_314 = arith.subf %parallel_loop3A_313, %parallel_loop3A_311 : vector<16xf32>
        %parallel_loop3A_315 = arith.constant 1.920000e+02 : f32
        %parallel_loop3A_316 = vector.broadcast %parallel_loop3A_315 : f32 to vector<16xf32>
        %parallel_loop3A_317 = arith.mulf %parallel_loop3A_316, %parallel_loop3A_191 : vector<16xf32>
        %parallel_loop3A_318 = arith.constant 2.400000e+02 : f32
        %parallel_loop3A_319 = vector.broadcast %parallel_loop3A_318 : f32 to vector<16xf32>
        %parallel_loop3A_320 = arith.subf %parallel_loop3A_319, %parallel_loop3A_317 : vector<16xf32>
        %parallel_loop3A_321 = arith.constant 1.920000e+02 : f32
        %parallel_loop3A_322 = vector.broadcast %parallel_loop3A_321 : f32 to vector<16xf32>
        %parallel_loop3A_323 = arith.mulf %parallel_loop3A_322, %parallel_loop3A_196 : vector<16xf32>
        %parallel_loop3A_324 = arith.constant 2.400000e+02 : f32
        %parallel_loop3A_325 = vector.broadcast %parallel_loop3A_324 : f32 to vector<16xf32>
        %parallel_loop3A_326 = arith.subf %parallel_loop3A_325, %parallel_loop3A_323 : vector<16xf32>
        %parallel_loop3A_327 = arith.constant 1.920000e+02 : f32
        %parallel_loop3A_328 = vector.broadcast %parallel_loop3A_327 : f32 to vector<16xf32>
        %parallel_loop3A_329 = arith.mulf %parallel_loop3A_328, %parallel_loop3A_201 : vector<16xf32>
        %parallel_loop3A_330 = arith.constant 2.400000e+02 : f32
        %parallel_loop3A_331 = vector.broadcast %parallel_loop3A_330 : f32 to vector<16xf32>
        %parallel_loop3A_332 = arith.subf %parallel_loop3A_331, %parallel_loop3A_329 : vector<16xf32>
        %parallel_loop3A_333 = arith.constant 1.920000e+02 : f32
        %parallel_loop3A_334 = vector.broadcast %parallel_loop3A_333 : f32 to vector<16xf32>
        %parallel_loop3A_335 = arith.mulf %parallel_loop3A_334, %parallel_loop3A_206 : vector<16xf32>
        %parallel_loop3A_336 = arith.constant 2.400000e+02 : f32
        %parallel_loop3A_337 = vector.broadcast %parallel_loop3A_336 : f32 to vector<16xf32>
        %parallel_loop3A_338 = arith.subf %parallel_loop3A_337, %parallel_loop3A_335 : vector<16xf32>
        %parallel_loop3A_339 = arith.mulf %parallel_loop3A_181, %parallel_loop3A_308 : vector<16xf32>
        %parallel_loop3A_340 = arith.mulf %parallel_loop3A_186, %parallel_loop3A_314 : vector<16xf32>
        %parallel_loop3A_341 = arith.mulf %parallel_loop3A_191, %parallel_loop3A_320 : vector<16xf32>
        %parallel_loop3A_342 = arith.mulf %parallel_loop3A_196, %parallel_loop3A_326 : vector<16xf32>
        %parallel_loop3A_343 = arith.mulf %parallel_loop3A_201, %parallel_loop3A_332 : vector<16xf32>
        %parallel_loop3A_344 = arith.mulf %parallel_loop3A_206, %parallel_loop3A_338 : vector<16xf32>
        %parallel_loop3A_345 = arith.constant 8.000000e+01 : f32
        %parallel_loop3A_346 = vector.broadcast %parallel_loop3A_345 : f32 to vector<16xf32>
        %parallel_loop3A_347 = arith.subf %parallel_loop3A_339, %parallel_loop3A_346 : vector<16xf32>
        %parallel_loop3A_348 = arith.constant 8.000000e+01 : f32
        %parallel_loop3A_349 = vector.broadcast %parallel_loop3A_348 : f32 to vector<16xf32>
        %parallel_loop3A_350 = arith.subf %parallel_loop3A_340, %parallel_loop3A_349 : vector<16xf32>
        %parallel_loop3A_351 = arith.constant 8.000000e+01 : f32
        %parallel_loop3A_352 = vector.broadcast %parallel_loop3A_351 : f32 to vector<16xf32>
        %parallel_loop3A_353 = arith.subf %parallel_loop3A_341, %parallel_loop3A_352 : vector<16xf32>
        %parallel_loop3A_354 = arith.constant 8.000000e+01 : f32
        %parallel_loop3A_355 = vector.broadcast %parallel_loop3A_354 : f32 to vector<16xf32>
        %parallel_loop3A_356 = arith.subf %parallel_loop3A_342, %parallel_loop3A_355 : vector<16xf32>
        %parallel_loop3A_357 = arith.constant 8.000000e+01 : f32
        %parallel_loop3A_358 = vector.broadcast %parallel_loop3A_357 : f32 to vector<16xf32>
        %parallel_loop3A_359 = arith.subf %parallel_loop3A_343, %parallel_loop3A_358 : vector<16xf32>
        %parallel_loop3A_360 = arith.constant 8.000000e+01 : f32
        %parallel_loop3A_361 = vector.broadcast %parallel_loop3A_360 : f32 to vector<16xf32>
        %parallel_loop3A_362 = arith.subf %parallel_loop3A_344, %parallel_loop3A_361 : vector<16xf32>
        %parallel_loop3A_363 = arith.mulf %parallel_loop3A_181, %parallel_loop3A_297 : vector<16xf32>
        %parallel_loop3A_364 = arith.mulf %parallel_loop3A_186, %parallel_loop3A_298 : vector<16xf32>
        %parallel_loop3A_365 = arith.mulf %parallel_loop3A_191, %parallel_loop3A_299 : vector<16xf32>
        %parallel_loop3A_366 = arith.mulf %parallel_loop3A_196, %parallel_loop3A_300 : vector<16xf32>
        %parallel_loop3A_367 = arith.mulf %parallel_loop3A_201, %parallel_loop3A_301 : vector<16xf32>
        %parallel_loop3A_368 = arith.mulf %parallel_loop3A_206, %parallel_loop3A_302 : vector<16xf32>
        %parallel_loop3A_369 = arith.mulf %parallel_loop3A_363, %parallel_loop3A_347 : vector<16xf32>
        %parallel_loop3A_370 = arith.mulf %parallel_loop3A_364, %parallel_loop3A_350 : vector<16xf32>
        %parallel_loop3A_371 = arith.mulf %parallel_loop3A_365, %parallel_loop3A_353 : vector<16xf32>
        %parallel_loop3A_372 = arith.mulf %parallel_loop3A_366, %parallel_loop3A_356 : vector<16xf32>
        %parallel_loop3A_373 = arith.mulf %parallel_loop3A_367, %parallel_loop3A_359 : vector<16xf32>
        %parallel_loop3A_374 = arith.mulf %parallel_loop3A_368, %parallel_loop3A_362 : vector<16xf32>
        %parallel_loop3A_375 = arith.constant 0.274833441 : f32
        %parallel_loop3A_376 = vector.broadcast %parallel_loop3A_375 : f32 to vector<16xf32>
        %parallel_loop3A_377 = arith.mulf %parallel_loop3A_376, %parallel_loop3A_297 : vector<16xf32>
        %parallel_loop3A_378 = arith.constant -0.48917532 : f32
        %parallel_loop3A_379 = vector.broadcast %parallel_loop3A_378 : f32 to vector<16xf32>
        %parallel_loop3A_380 = arith.addf %parallel_loop3A_379, %parallel_loop3A_377 : vector<16xf32>
        %parallel_loop3A_381 = arith.mulf %parallel_loop3A_297, %parallel_loop3A_380 : vector<16xf32>
        %parallel_loop3A_382 = arith.constant 0.999701857 : f32
        %parallel_loop3A_383 = vector.broadcast %parallel_loop3A_382 : f32 to vector<16xf32>
        %parallel_loop3A_384 = arith.addf %parallel_loop3A_383, %parallel_loop3A_381 : vector<16xf32>
        %parallel_loop3A_385 = arith.constant 0.274833441 : f32
        %parallel_loop3A_386 = vector.broadcast %parallel_loop3A_385 : f32 to vector<16xf32>
        %parallel_loop3A_387 = arith.mulf %parallel_loop3A_386, %parallel_loop3A_298 : vector<16xf32>
        %parallel_loop3A_388 = arith.constant -0.48917532 : f32
        %parallel_loop3A_389 = vector.broadcast %parallel_loop3A_388 : f32 to vector<16xf32>
        %parallel_loop3A_390 = arith.addf %parallel_loop3A_389, %parallel_loop3A_387 : vector<16xf32>
        %parallel_loop3A_391 = arith.mulf %parallel_loop3A_298, %parallel_loop3A_390 : vector<16xf32>
        %parallel_loop3A_392 = arith.constant 0.999701857 : f32
        %parallel_loop3A_393 = vector.broadcast %parallel_loop3A_392 : f32 to vector<16xf32>
        %parallel_loop3A_394 = arith.addf %parallel_loop3A_393, %parallel_loop3A_391 : vector<16xf32>
        %parallel_loop3A_395 = arith.constant 0.274833441 : f32
        %parallel_loop3A_396 = vector.broadcast %parallel_loop3A_395 : f32 to vector<16xf32>
        %parallel_loop3A_397 = arith.mulf %parallel_loop3A_396, %parallel_loop3A_299 : vector<16xf32>
        %parallel_loop3A_398 = arith.constant -0.48917532 : f32
        %parallel_loop3A_399 = vector.broadcast %parallel_loop3A_398 : f32 to vector<16xf32>
        %parallel_loop3A_400 = arith.addf %parallel_loop3A_399, %parallel_loop3A_397 : vector<16xf32>
        %parallel_loop3A_401 = arith.mulf %parallel_loop3A_299, %parallel_loop3A_400 : vector<16xf32>
        %parallel_loop3A_402 = arith.constant 0.999701857 : f32
        %parallel_loop3A_403 = vector.broadcast %parallel_loop3A_402 : f32 to vector<16xf32>
        %parallel_loop3A_404 = arith.addf %parallel_loop3A_403, %parallel_loop3A_401 : vector<16xf32>
        %parallel_loop3A_405 = arith.constant 0.274833441 : f32
        %parallel_loop3A_406 = vector.broadcast %parallel_loop3A_405 : f32 to vector<16xf32>
        %parallel_loop3A_407 = arith.mulf %parallel_loop3A_406, %parallel_loop3A_300 : vector<16xf32>
        %parallel_loop3A_408 = arith.constant -0.48917532 : f32
        %parallel_loop3A_409 = vector.broadcast %parallel_loop3A_408 : f32 to vector<16xf32>
        %parallel_loop3A_410 = arith.addf %parallel_loop3A_409, %parallel_loop3A_407 : vector<16xf32>
        %parallel_loop3A_411 = arith.mulf %parallel_loop3A_300, %parallel_loop3A_410 : vector<16xf32>
        %parallel_loop3A_412 = arith.constant 0.999701857 : f32
        %parallel_loop3A_413 = vector.broadcast %parallel_loop3A_412 : f32 to vector<16xf32>
        %parallel_loop3A_414 = arith.addf %parallel_loop3A_413, %parallel_loop3A_411 : vector<16xf32>
        %parallel_loop3A_415 = arith.constant 0.274833441 : f32
        %parallel_loop3A_416 = vector.broadcast %parallel_loop3A_415 : f32 to vector<16xf32>
        %parallel_loop3A_417 = arith.mulf %parallel_loop3A_416, %parallel_loop3A_301 : vector<16xf32>
        %parallel_loop3A_418 = arith.constant -0.48917532 : f32
        %parallel_loop3A_419 = vector.broadcast %parallel_loop3A_418 : f32 to vector<16xf32>
        %parallel_loop3A_420 = arith.addf %parallel_loop3A_419, %parallel_loop3A_417 : vector<16xf32>
        %parallel_loop3A_421 = arith.mulf %parallel_loop3A_301, %parallel_loop3A_420 : vector<16xf32>
        %parallel_loop3A_422 = arith.constant 0.999701857 : f32
        %parallel_loop3A_423 = vector.broadcast %parallel_loop3A_422 : f32 to vector<16xf32>
        %parallel_loop3A_424 = arith.addf %parallel_loop3A_423, %parallel_loop3A_421 : vector<16xf32>
        %parallel_loop3A_425 = arith.constant 0.274833441 : f32
        %parallel_loop3A_426 = vector.broadcast %parallel_loop3A_425 : f32 to vector<16xf32>
        %parallel_loop3A_427 = arith.mulf %parallel_loop3A_426, %parallel_loop3A_302 : vector<16xf32>
        %parallel_loop3A_428 = arith.constant -0.48917532 : f32
        %parallel_loop3A_429 = vector.broadcast %parallel_loop3A_428 : f32 to vector<16xf32>
        %parallel_loop3A_430 = arith.addf %parallel_loop3A_429, %parallel_loop3A_427 : vector<16xf32>
        %parallel_loop3A_431 = arith.mulf %parallel_loop3A_302, %parallel_loop3A_430 : vector<16xf32>
        %parallel_loop3A_432 = arith.constant 0.999701857 : f32
        %parallel_loop3A_433 = vector.broadcast %parallel_loop3A_432 : f32 to vector<16xf32>
        %parallel_loop3A_434 = arith.addf %parallel_loop3A_433, %parallel_loop3A_431 : vector<16xf32>
        %parallel_loop3A_435 = arith.subf %parallel_loop3A_384, %parallel_loop3A_209 : vector<16xf32>
        %parallel_loop3A_436 = arith.subf %parallel_loop3A_394, %parallel_loop3A_212 : vector<16xf32>
        %parallel_loop3A_437 = arith.subf %parallel_loop3A_404, %parallel_loop3A_215 : vector<16xf32>
        %parallel_loop3A_438 = arith.subf %parallel_loop3A_414, %parallel_loop3A_218 : vector<16xf32>
        %parallel_loop3A_439 = arith.subf %parallel_loop3A_424, %parallel_loop3A_221 : vector<16xf32>
        %parallel_loop3A_440 = arith.subf %parallel_loop3A_434, %parallel_loop3A_224 : vector<16xf32>
        %parallel_loop3A_441 = arith.constant 1.000000e+00 : f32
        %parallel_loop3A_442 = vector.broadcast %parallel_loop3A_441 : f32 to vector<16xf32>
        %parallel_loop3A_443 = arith.addf %parallel_loop3A_442, %parallel_loop3A_369 : vector<16xf32>
        %parallel_loop3A_444 = arith.constant 0.000000e+00 : f32
        %parallel_loop3A_445 = vector.broadcast %parallel_loop3A_444 : f32 to vector<16xf32>
        %parallel_loop3A_446 = arith.maximumf %parallel_loop3A_443, %parallel_loop3A_445 : vector<16xf32>
        %parallel_loop3A_447 = arith.constant 1.000000e+00 : f32
        %parallel_loop3A_448 = vector.broadcast %parallel_loop3A_447 : f32 to vector<16xf32>
        %parallel_loop3A_449 = arith.addf %parallel_loop3A_448, %parallel_loop3A_370 : vector<16xf32>
        %parallel_loop3A_450 = arith.constant 0.000000e+00 : f32
        %parallel_loop3A_451 = vector.broadcast %parallel_loop3A_450 : f32 to vector<16xf32>
        %parallel_loop3A_452 = arith.maximumf %parallel_loop3A_449, %parallel_loop3A_451 : vector<16xf32>
        %parallel_loop3A_453 = arith.constant 1.000000e+00 : f32
        %parallel_loop3A_454 = vector.broadcast %parallel_loop3A_453 : f32 to vector<16xf32>
        %parallel_loop3A_455 = arith.addf %parallel_loop3A_454, %parallel_loop3A_371 : vector<16xf32>
        %parallel_loop3A_456 = arith.constant 0.000000e+00 : f32
        %parallel_loop3A_457 = vector.broadcast %parallel_loop3A_456 : f32 to vector<16xf32>
        %parallel_loop3A_458 = arith.maximumf %parallel_loop3A_455, %parallel_loop3A_457 : vector<16xf32>
        %parallel_loop3A_459 = arith.constant 1.000000e+00 : f32
        %parallel_loop3A_460 = vector.broadcast %parallel_loop3A_459 : f32 to vector<16xf32>
        %parallel_loop3A_461 = arith.addf %parallel_loop3A_460, %parallel_loop3A_372 : vector<16xf32>
        %parallel_loop3A_462 = arith.constant 0.000000e+00 : f32
        %parallel_loop3A_463 = vector.broadcast %parallel_loop3A_462 : f32 to vector<16xf32>
        %parallel_loop3A_464 = arith.maximumf %parallel_loop3A_461, %parallel_loop3A_463 : vector<16xf32>
        %parallel_loop3A_465 = arith.constant 1.000000e+00 : f32
        %parallel_loop3A_466 = vector.broadcast %parallel_loop3A_465 : f32 to vector<16xf32>
        %parallel_loop3A_467 = arith.addf %parallel_loop3A_466, %parallel_loop3A_373 : vector<16xf32>
        %parallel_loop3A_468 = arith.constant 0.000000e+00 : f32
        %parallel_loop3A_469 = vector.broadcast %parallel_loop3A_468 : f32 to vector<16xf32>
        %parallel_loop3A_470 = arith.maximumf %parallel_loop3A_467, %parallel_loop3A_469 : vector<16xf32>
        %parallel_loop3A_471 = arith.constant 1.000000e+00 : f32
        %parallel_loop3A_472 = vector.broadcast %parallel_loop3A_471 : f32 to vector<16xf32>
        %parallel_loop3A_473 = arith.addf %parallel_loop3A_472, %parallel_loop3A_374 : vector<16xf32>
        %parallel_loop3A_474 = arith.constant 0.000000e+00 : f32
        %parallel_loop3A_475 = vector.broadcast %parallel_loop3A_474 : f32 to vector<16xf32>
        %parallel_loop3A_476 = arith.maximumf %parallel_loop3A_473, %parallel_loop3A_475 : vector<16xf32>
        %parallel_loop3A_477 = arith.mulf %parallel_loop3A_435, %parallel_loop3A_446 : vector<16xf32>
        %parallel_loop3A_478 = arith.addf %parallel_loop3A_209, %parallel_loop3A_477 : vector<16xf32>
        %parallel_loop3A_479 = arith.mulf %parallel_loop3A_436, %parallel_loop3A_452 : vector<16xf32>
        %parallel_loop3A_480 = arith.addf %parallel_loop3A_212, %parallel_loop3A_479 : vector<16xf32>
        %parallel_loop3A_481 = arith.mulf %parallel_loop3A_437, %parallel_loop3A_458 : vector<16xf32>
        %parallel_loop3A_482 = arith.addf %parallel_loop3A_215, %parallel_loop3A_481 : vector<16xf32>
        %parallel_loop3A_483 = arith.mulf %parallel_loop3A_438, %parallel_loop3A_464 : vector<16xf32>
        %parallel_loop3A_484 = arith.addf %parallel_loop3A_218, %parallel_loop3A_483 : vector<16xf32>
        %parallel_loop3A_485 = arith.mulf %parallel_loop3A_439, %parallel_loop3A_470 : vector<16xf32>
        %parallel_loop3A_486 = arith.addf %parallel_loop3A_221, %parallel_loop3A_485 : vector<16xf32>
        %parallel_loop3A_487 = arith.mulf %parallel_loop3A_440, %parallel_loop3A_476 : vector<16xf32>
        %parallel_loop3A_488 = arith.addf %parallel_loop3A_224, %parallel_loop3A_487 : vector<16xf32>
        %parallel_loop3A_489 = arith.mulf %parallel_loop3A_274, %parallel_loop3A_286 : vector<16xf32>
        %parallel_loop3A_490 = arith.mulf %parallel_loop3A_489, %parallel_loop3A_478 : vector<16xf32>
        %parallel_loop3A_491 = arith.mulf %parallel_loop3A_276, %parallel_loop3A_288 : vector<16xf32>
        %parallel_loop3A_492 = arith.mulf %parallel_loop3A_491, %parallel_loop3A_480 : vector<16xf32>
        %parallel_loop3A_493 = arith.mulf %parallel_loop3A_278, %parallel_loop3A_290 : vector<16xf32>
        %parallel_loop3A_494 = arith.mulf %parallel_loop3A_493, %parallel_loop3A_482 : vector<16xf32>
        %parallel_loop3A_495 = arith.mulf %parallel_loop3A_280, %parallel_loop3A_292 : vector<16xf32>
        %parallel_loop3A_496 = arith.mulf %parallel_loop3A_495, %parallel_loop3A_484 : vector<16xf32>
        %parallel_loop3A_497 = arith.mulf %parallel_loop3A_282, %parallel_loop3A_294 : vector<16xf32>
        %parallel_loop3A_498 = arith.mulf %parallel_loop3A_497, %parallel_loop3A_486 : vector<16xf32>
        %parallel_loop3A_499 = arith.mulf %parallel_loop3A_284, %parallel_loop3A_296 : vector<16xf32>
        %parallel_loop3A_500 = arith.mulf %parallel_loop3A_499, %parallel_loop3A_488 : vector<16xf32>
        %parallel_loop3A_501 = arith.cmpi slt, %parallel_loop3A_99, %parallel_loop3A_141 : vector<16xi32>
        %parallel_loop3A_502 = arith.cmpi slt, %parallel_loop3A_106, %parallel_loop3A_148 : vector<16xi32>
        %parallel_loop3A_503 = arith.cmpi slt, %parallel_loop3A_113, %parallel_loop3A_155 : vector<16xi32>
        %parallel_loop3A_504 = arith.cmpi slt, %parallel_loop3A_120, %parallel_loop3A_162 : vector<16xi32>
        %parallel_loop3A_505 = arith.cmpi slt, %parallel_loop3A_127, %parallel_loop3A_169 : vector<16xi32>
        %parallel_loop3A_506 = arith.cmpi slt, %parallel_loop3A_134, %parallel_loop3A_176 : vector<16xi32>
        tpu.vector_store_idx %arg7[%parallel_loop3A_239], %parallel_loop3A_490 masked %parallel_loop3A_501 {add = true} : memref<512xf32, #tpu.memory_space<vmem>>[vector<16xi32>], vector<16xf32>, vector<16xi1>
        tpu.vector_store_idx %arg7[%parallel_loop3A_242], %parallel_loop3A_492 masked %parallel_loop3A_502 {add = true} : memref<512xf32, #tpu.memory_space<vmem>>[vector<16xi32>], vector<16xf32>, vector<16xi1>
        tpu.vector_store_idx %arg7[%parallel_loop3A_245], %parallel_loop3A_494 masked %parallel_loop3A_503 {add = true} : memref<512xf32, #tpu.memory_space<vmem>>[vector<16xi32>], vector<16xf32>, vector<16xi1>
        tpu.vector_store_idx %arg7[%parallel_loop3A_248], %parallel_loop3A_496 masked %parallel_loop3A_504 {add = true} : memref<512xf32, #tpu.memory_space<vmem>>[vector<16xi32>], vector<16xf32>, vector<16xi1>
        tpu.vector_store_idx %arg7[%parallel_loop3A_251], %parallel_loop3A_498 masked %parallel_loop3A_505 {add = true} : memref<512xf32, #tpu.memory_space<vmem>>[vector<16xi32>], vector<16xf32>, vector<16xi1>
        tpu.vector_store_idx %arg7[%parallel_loop3A_254], %parallel_loop3A_500 masked %parallel_loop3A_506 {add = true} : memref<512xf32, #tpu.memory_space<vmem>>[vector<16xi32>], vector<16xf32>, vector<16xi1>
      } {sc.loop_unroll_factor = 1 : i64, sc.parallel_access}
      %scan3A_89 = arith.constant 0 : i32
      scf.yield %scan3A_89 : i32
    }
    %scan3A_41 = arith.constant 10 : i32
    %lt3A = arith.constant 20 : i32
    %lt3A_42 = arith.cmpi slt, %add3A, %lt3A : i32
    %convert_element_type3A = arith.extui %lt3A_42 : i1 to i32
    %cond3A = arith.constant 0 : i32
    %cond3A_43 = arith.cmpi ne, %convert_element_type3A, %cond3A : i32
    scf.if %cond3A_43 {
      %add3A_51 = arith.constant 390 : i32
      %add3A_52 = arith.addi %add3A_4, %add3A_51 : i32
      %mul3A_53 = arith.constant 128 : i32
      %mul3A_54 = arith.muli %add3A_52, %mul3A_53 : i32
      %multiple_of3A_55 = tpu.assume_multiple %mul3A_54, 128 : i32
      "tpu.region"() ({
        %run_scoped3A = tpu.sem_alloc : memref<!tpu.dma_semaphore, #tpu.memory_space<semaphore_mem>>
        %dma_start3A_63 = arith.constant 0 : i32
        %dma_start3A_64 = tpu.memref_slice %arg3[%dma_start3A_63, %multiple_of3A_55] : memref<2x1600000xi32, #tpu.memory_space<hbm>> -> memref<2x128xi32, #tpu.memory_space<hbm>>
        %dma_start3A_65 = arith.constant 0 : i32
        %dma_start3A_66 = tpu.memref_slice %arg3[%dma_start3A_65, %multiple_of3A_55] : memref<2x1600000xi32, #tpu.memory_space<hbm>> -> memref<2x128xi32, #tpu.memory_space<hbm>>
        tpu.enqueue_dma source(%dma_start3A_66 : memref<2x128xi32, #tpu.memory_space<hbm>>) target(%arg11 : memref<2x128xi32, #tpu.memory_space<vmem>>) target_semaphore(%run_scoped3A : memref<!tpu.dma_semaphore, #tpu.memory_space<semaphore_mem>>)
        %dma_wait3A = arith.constant 0 : i32
        %dma_wait3A_67 = tpu.memref_slice %arg3[%dma_wait3A, %multiple_of3A_55] : memref<2x1600000xi32, #tpu.memory_space<hbm>> -> memref<2x128xi32, #tpu.memory_space<hbm>>
        %dma_wait3A_68 = arith.constant 0 : i32
        %dma_wait3A_69 = tpu.memref_slice %arg3[%dma_wait3A_68, %multiple_of3A_55] : memref<2x1600000xi32, #tpu.memory_space<hbm>> -> memref<2x128xi32, #tpu.memory_space<hbm>>
        tpu.wait_dma2 semaphore(%run_scoped3A : memref<!tpu.dma_semaphore, #tpu.memory_space<semaphore_mem>>) src(%dma_wait3A_69 : memref<2x128xi32, #tpu.memory_space<hbm>>) dst(%arg11 : memref<2x128xi32, #tpu.memory_space<vmem>>)
        tpu.yield
      }) : () -> ()
      "tpu.region"() ({
        %run_scoped3A = tpu.sem_alloc : memref<!tpu.dma_semaphore, #tpu.memory_space<semaphore_mem>>
        %dma_start3A_63 = tpu.memref_slice %arg4[%multiple_of3A_55] : memref<1600000xf32, #tpu.memory_space<hbm>> -> memref<128xf32, #tpu.memory_space<hbm>>
        %dma_start3A_64 = tpu.memref_slice %arg4[%multiple_of3A_55] : memref<1600000xf32, #tpu.memory_space<hbm>> -> memref<128xf32, #tpu.memory_space<hbm>>
        tpu.enqueue_dma source(%dma_start3A_64 : memref<128xf32, #tpu.memory_space<hbm>>) target(%arg12 : memref<128xf32, #tpu.memory_space<vmem>>) target_semaphore(%run_scoped3A : memref<!tpu.dma_semaphore, #tpu.memory_space<semaphore_mem>>)
        %dma_wait3A = tpu.memref_slice %arg4[%multiple_of3A_55] : memref<1600000xf32, #tpu.memory_space<hbm>> -> memref<128xf32, #tpu.memory_space<hbm>>
        %dma_wait3A_65 = tpu.memref_slice %arg4[%multiple_of3A_55] : memref<1600000xf32, #tpu.memory_space<hbm>> -> memref<128xf32, #tpu.memory_space<hbm>>
        tpu.wait_dma2 semaphore(%run_scoped3A : memref<!tpu.dma_semaphore, #tpu.memory_space<semaphore_mem>>) src(%dma_wait3A_65 : memref<128xf32, #tpu.memory_space<hbm>>) dst(%arg12 : memref<128xf32, #tpu.memory_space<vmem>>)
        tpu.yield
      }) : () -> ()
      %scan3A_56 = arith.constant 0 : i32
      %scan3A_57 = arith.constant 0 : i32
      %scan3A_58 = arith.constant 8 : i32
      %scan3A_59 = arith.addi %scan3A_57, %scan3A_58 : i32
      %scan3A_60 = arith.constant 1 : i32
      %scan3A_61 = scf.for %scan3A_63 = %scan3A_57 to %scan3A_59 step %scan3A_60 iter_args(%scan3A_64 = %scan3A_56) -> (i32)  : i32 {
        %mul3A_65 = arith.constant 16 : i32
        %mul3A_66 = arith.muli %scan3A_63, %mul3A_65 : i32
        %get3A = arith.constant 0 : i32
        %get3A_67 = arith.index_cast %get3A : i32 to index
        %get3A_68 = arith.index_cast %mul3A_66 : i32 to index
        %get3A_69 = tpu.vector_load %arg11[%get3A_67, %get3A_68] {strides = array<i32>} : memref<2x128xi32, #tpu.memory_space<vmem>>, vector<16xi32>,
        %get3A_70 = arith.constant 1 : i32
        %get3A_71 = arith.index_cast %get3A_70 : i32 to index
        %get3A_72 = arith.index_cast %mul3A_66 : i32 to index
        %get3A_73 = tpu.vector_load %arg11[%get3A_71, %get3A_72] {strides = array<i32>} : memref<2x128xi32, #tpu.memory_space<vmem>>, vector<16xi32>,
        %get3A_74 = arith.index_cast %mul3A_66 : i32 to index
        %get3A_75 = tpu.vector_load %arg12[%get3A_74] {strides = array<i32>} : memref<128xf32, #tpu.memory_space<vmem>>, vector<16xf32>,
        %div3A = arith.constant 1.000000e+00 : f32
        %div3A_76 = vector.broadcast %div3A : f32 to vector<16xf32>
        %div3A_77 = arith.divf %div3A_76, %get3A_75 : vector<16xf32>
        %gather3A = tpu.vector_load_idx %arg6[%get3A_69] : memref<50000xi32, #tpu.memory_space<vmem>>[vector<16xi32>], vector<16xi32>,
        %gather3A_78 = tpu.vector_load_idx %arg6[%get3A_73] : memref<50000xi32, #tpu.memory_space<vmem>>[vector<16xi32>], vector<16xi32>,
        %and3A = arith.constant 511 : i32
        %and3A_79 = vector.broadcast %and3A : i32 to vector<16xi32>
        %and3A_80 = arith.andi %gather3A, %and3A_79 : vector<16xi32>
        %and3A_81 = arith.constant 511 : i32
        %and3A_82 = vector.broadcast %and3A_81 : i32 to vector<16xi32>
        %and3A_83 = arith.andi %gather3A_78, %and3A_82 : vector<16xi32>
        %xor3A = arith.xori %gather3A, %and3A_80 : vector<16xi32>
        %bitcast3A = vector.bitcast %xor3A : vector<16xi32> to vector<16xf32>
        %xor3A_84 = arith.xori %gather3A_78, %and3A_83 : vector<16xi32>
        %bitcast3A_85 = vector.bitcast %xor3A_84 : vector<16xi32> to vector<16xf32>
        %mul3A_86 = arith.mulf %get3A_75, %get3A_75 : vector<16xf32>
        %mul3A_87 = arith.constant 1.920000e+02 : f32
        %mul3A_88 = vector.broadcast %mul3A_87 : f32 to vector<16xf32>
        %mul3A_89 = arith.mulf %mul3A_88, %get3A_75 : vector<16xf32>
        %sub3A = arith.constant 2.400000e+02 : f32
        %sub3A_90 = vector.broadcast %sub3A : f32 to vector<16xf32>
        %sub3A_91 = arith.subf %sub3A_90, %mul3A_89 : vector<16xf32>
        %mul3A_92 = arith.mulf %get3A_75, %sub3A_91 : vector<16xf32>
        %sub3A_93 = arith.constant 8.000000e+01 : f32
        %sub3A_94 = vector.broadcast %sub3A_93 : f32 to vector<16xf32>
        %sub3A_95 = arith.subf %mul3A_92, %sub3A_94 : vector<16xf32>
        %mul3A_96 = arith.mulf %get3A_75, %mul3A_86 : vector<16xf32>
        %mul3A_97 = arith.mulf %mul3A_96, %sub3A_95 : vector<16xf32>
        %mul3A_98 = arith.constant 0.274833441 : f32
        %mul3A_99 = vector.broadcast %mul3A_98 : f32 to vector<16xf32>
        %mul3A_100 = arith.mulf %mul3A_99, %mul3A_86 : vector<16xf32>
        %add3A_101 = arith.constant -0.48917532 : f32
        %add3A_102 = vector.broadcast %add3A_101 : f32 to vector<16xf32>
        %add3A_103 = arith.addf %add3A_102, %mul3A_100 : vector<16xf32>
        %mul3A_104 = arith.mulf %mul3A_86, %add3A_103 : vector<16xf32>
        %add3A_105 = arith.constant 0.999701857 : f32
        %add3A_106 = vector.broadcast %add3A_105 : f32 to vector<16xf32>
        %add3A_107 = arith.addf %add3A_106, %mul3A_104 : vector<16xf32>
        %sub3A_108 = arith.subf %add3A_107, %div3A_77 : vector<16xf32>
        %add3A_109 = arith.constant 1.000000e+00 : f32
        %add3A_110 = vector.broadcast %add3A_109 : f32 to vector<16xf32>
        %add3A_111 = arith.addf %add3A_110, %mul3A_97 : vector<16xf32>
        %max3A = arith.constant 0.000000e+00 : f32
        %max3A_112 = vector.broadcast %max3A : f32 to vector<16xf32>
        %max3A_113 = arith.maximumf %add3A_111, %max3A_112 : vector<16xf32>
        %mul3A_114 = arith.mulf %sub3A_108, %max3A_113 : vector<16xf32>
        %add3A_115 = arith.addf %div3A_77, %mul3A_114 : vector<16xf32>
        %mul3A_116 = arith.mulf %bitcast3A, %bitcast3A_85 : vector<16xf32>
        %mul3A_117 = arith.mulf %mul3A_116, %add3A_115 : vector<16xf32>
        %lt3A_118 = arith.cmpi slt, %get3A_69, %get3A_73 : vector<16xi32>
        tpu.vector_store_idx %arg7[%and3A_80], %mul3A_117 masked %lt3A_118 {add = true} : memref<512xf32, #tpu.memory_space<vmem>>[vector<16xi32>], vector<16xf32>, vector<16xi1>
        %scan3A_119 = arith.constant 0 : i32
        scf.yield %scan3A_119 : i32
      }
      %scan3A_62 = arith.constant 8 : i32
    } else {
    }
    %scan3A_44 = arith.constant 0 : i32
    %scan3A_45 = arith.constant 0 : i32
    %scan3A_46 = arith.constant 32 : i32
    %scan3A_47 = arith.addi %scan3A_45, %scan3A_46 : i32
    %scan3A_48 = arith.constant 1 : i32
    %scan3A_49 = scf.for %scan3A_51 = %scan3A_45 to %scan3A_47 step %scan3A_48 iter_args(%scan3A_52 = %scan3A_44) -> (i32)  : i32 {
      %mul3A_53 = arith.constant 16 : i32
      %mul3A_54 = arith.muli %scan3A_51, %mul3A_53 : i32
      %get3A = arith.index_cast %mul3A_54 : i32 to index
      %get3A_55 = tpu.vector_load %arg7[%get3A] {strides = array<i32>} : memref<512xf32, #tpu.memory_space<vmem>>, vector<16xf32>,
      %mul3A_56 = arith.constant 1.389600e+02 : f32
      %mul3A_57 = vector.broadcast %mul3A_56 : f32 to vector<16xf32>
      %mul3A_58 = arith.mulf %get3A_55, %mul3A_57 : vector<16xf32>
      %swap3A = arith.index_cast %mul3A_54 : i32 to index
      %swap3A_59 = tpu.vector_load %arg8[%swap3A] {strides = array<i32>} : memref<512xf32, #tpu.memory_space<vmem>>, vector<16xf32>,
      tpu.vector_store %arg8[%swap3A], %mul3A_58 {strides = array<i32>} : memref<512xf32, #tpu.memory_space<vmem>>, vector<16xf32>,
      %scan3A_60 = arith.constant 0 : i32
      scf.yield %scan3A_60 : i32
    }
    %scan3A_50 = arith.constant 32 : i32
    "tpu.region"() ({
      %run_scoped3A = tpu.sem_alloc : memref<!tpu.dma_semaphore, #tpu.memory_space<semaphore_mem>>
      %dma_start3A_51 = arith.constant 0 : i32
      %dma_start3A_52 = tpu.memref_slice %arg5[%add3A, %dma_start3A_51] : memref<32x512xf32, #tpu.memory_space<hbm>> -> memref<1x512xf32, #tpu.memory_space<hbm>>
      %dma_start3A_53 = tpu.memref_squeeze %dma_start3A_52 : memref<1x512xf32, #tpu.memory_space<hbm>> -> memref<512xf32, #tpu.memory_space<hbm>>
      %dma_start3A_54 = arith.constant 0 : i32
      %dma_start3A_55 = tpu.memref_slice %arg5[%add3A, %dma_start3A_54] : memref<32x512xf32, #tpu.memory_space<hbm>> -> memref<1x512xf32, #tpu.memory_space<hbm>>
      %dma_start3A_56 = tpu.memref_squeeze %dma_start3A_55 : memref<1x512xf32, #tpu.memory_space<hbm>> -> memref<512xf32, #tpu.memory_space<hbm>>
      tpu.enqueue_dma source(%arg8 : memref<512xf32, #tpu.memory_space<vmem>>) target(%dma_start3A_56 : memref<512xf32, #tpu.memory_space<hbm>>) target_semaphore(%run_scoped3A : memref<!tpu.dma_semaphore, #tpu.memory_space<semaphore_mem>>)
      %dma_wait3A = arith.constant 0 : i32
      %dma_wait3A_57 = tpu.memref_slice %arg5[%add3A, %dma_wait3A] : memref<32x512xf32, #tpu.memory_space<hbm>> -> memref<1x512xf32, #tpu.memory_space<hbm>>
      %dma_wait3A_58 = tpu.memref_squeeze %dma_wait3A_57 : memref<1x512xf32, #tpu.memory_space<hbm>> -> memref<512xf32, #tpu.memory_space<hbm>>
      %dma_wait3A_59 = arith.constant 0 : i32
      %dma_wait3A_60 = tpu.memref_slice %arg5[%add3A, %dma_wait3A_59] : memref<32x512xf32, #tpu.memory_space<hbm>> -> memref<1x512xf32, #tpu.memory_space<hbm>>
      %dma_wait3A_61 = tpu.memref_squeeze %dma_wait3A_60 : memref<1x512xf32, #tpu.memory_space<hbm>> -> memref<512xf32, #tpu.memory_space<hbm>>
      tpu.wait_dma2 semaphore(%run_scoped3A : memref<!tpu.dma_semaphore, #tpu.memory_space<semaphore_mem>>) src(%arg8 : memref<512xf32, #tpu.memory_space<vmem>>) dst(%dma_wait3A_61 : memref<512xf32, #tpu.memory_space<hbm>>)
      tpu.yield
    }) : () -> ()
    return
  }
}

module attributes {stable_mosaic.version = 14 : i64} {
  func.func @_combine_body(%arg0: memref<32x512xf32, #tpu.memory_space<vmem>>, %arg1: memref<512xf32, #tpu.memory_space<vmem>>) attributes {dimension_semantics = [], scalar_prefetch = 0 : i64, scratch_operands = 0 : i64, tpu.core_type = #tpu.core_type<tc>} {
    %get3A = arith.constant 0 : index
    %get3A_0 = arith.constant 0 : index
    %get3A_1 = vector.load %arg0[%get3A, %get3A_0] : memref<32x512xf32, #tpu.memory_space<vmem>>, vector<32x512xf32>
    %reduce_sum3A = arith.constant dense<0.000000e+00> : vector<512xf32>
    %reduce_sum3A_2 = vector.multi_reduction <add>, %get3A_1, %reduce_sum3A [0] : vector<32x512xf32> to vector<512xf32>
    %swap3A = arith.constant 0 : index
    %swap3A_3 = vector.load %arg1[%swap3A] : memref<512xf32, #tpu.memory_space<vmem>>, vector<512xf32>
    tpu.vector_store %arg1[%swap3A], %reduce_sum3A_2 {strides = array<i32>} : memref<512xf32, #tpu.memory_space<vmem>>, vector<512xf32>,
    return
  }
}

</mosaic_0001>

<sc_bundles>
// kernel: kernel.4.cloned.1.call-start
scs
__scs_entry_jumppad:
0x0: {  	(pc) =	sbr.rel $0x88, $3  }
0x1: {  	(tag) =	ssettag $0x0;
	lr =	simm.s32 $0x1  }
0x2: {  	[smem:$0x3F9D] =	sst lr;
	_ =	strace $0xD0000000  }
0x3: {  	_ = 	snop  }
0x4: {  	_ = 	snop  }
0x5: {  	_ = 	snop  }
0x6: {  	_ = 	snop  }
0x7: {  	_ = 	snop  }
__scs_overlays_trampoline_lowered:
0x8: {  	[smem:$0x3FAC] =	sst s0  }
0x9: {  	[smem:$0x3FAD] =	sst s1  }
0xa: {  	[smem:$0x3FAE] =	sst s2  }
0xb: {  	[smem:$0x3FAF] =	sst s3  }
0xc: {  	[smem:$0x3FB0] =	sst s4  }
0xd: {  	[smem:$0x3FB1] =	sst s5  }
0xe: {  	[smem:$0x3FB2] =	sst s6  }
0xf: {  	[smem:$0x3FB3] =	sst s7  }
0x10: {  	[smem:$0x3FB4] =	sst s8  }
0x11: {  	[smem:$0x3FB5] =	sst s9;
	s0 =	simm.s32 @!p0 $0x0  }
0x12: {  	s1 =	sld [smem:$0x3F9B];
	s0 =	simm.s32 @p0 $0x1  }
0x13: {  	[smem:$0x3FB6] =	sst s0;
	s0 =	simm.s32 @!p1 $0x0  }
0x14: {  	s2 =	sld [smem:$0x3F9A];
	s0 =	simm.s32 @p1 $0x1  }
0x15: {  	[smem:$0x3FB7] =	sst s0;
	s0 =	simm.s32 @!p2 $0x0  }
0x16: {  	s3 =	sld [smem:$0x3FDB];
	s0 =	simm.s32 @p2 $0x1  }
0x17: {  	s4 =	simm.s32 $0x1BF5;
	[smem:$0x3FB9] =	sst s0  }
0x18: {  	s0 =	sld [smem:$0x3F9C];
	_ =	swait.ge [sflag:s4], $0x0  }
0x19: {  	s7 =	sld [smem:$0x3F9D]  }
0x1a: {  	s8 =	sadd.s32 $0xFFFFE003, lr  }
0x1b: {  	s9 =	sadd.s32 $0xFFFFFEF7, lr;
	s5 =	simm.s32 $0xFFFFFFFF;
	p2 =	slt.u32 s8, $0xFFFFF086  }
0x1c: {  	p1 =	slt.u32 s9, $0xF7A;
	s5 =	simm.s32 @!p2 $0x0  }
0x1d: {  	s5 =	simm.s32 @p1 $0x1;
	p0 =	seq.s32 s7, s2  }
0x1e: {  	s7 =	smul.u32 @!p0 $0xF7A, s2;
	p2 =	seq.s32 @!p0 s5, $0x0  }
0x1f: {  	s9 =	smul.u32 $0xF7A, s1;
	s8 =	simm.s32 @!p0 $0x1BF5;
	p2 =	por !p2, p0  }
0x20: {  	[sflag:s8] =	ssyncset.s32 @!p0 $0xFFFFF086;
	s6 =	sadd.s32 @!p0 s3, s7;
	s7 =	simm.s32 @!p0 $0x108  }
0x21: {  	s3 =	sadd.s32 s3, s9;
	s6 =	sadd.s32 @!p0 $0x88, s6;
	s7 =	simm.s32 @p2 $0x1082  }
0x22: {  	[simem:s7], [sflag:s8] =	dma.local @!p0 [hbm:s6], $0xF7A  }
0x23: {  	s9 =	sor.u32 $0xD0000000, s2;
	s6 =	simm.s32 $0x108;
	_ =	swait.ge @!p0 [sflag:s8], $0x0  }
0x24: {  	s3 =	sadd.s32 $0x88, s3;
	s6 =	simm.s32 @!p1 $0x1082;
	[sflag:s4] =	ssyncset.s32 $0xFFFFF086  }
0x25: {  	[simem:s6], [sflag:s4] =	dma.local [hbm:s3], $0xF7A  }
0x26: {  	[smem:$0x3F9D] =	sst s1;
	(tag) =	ssettag s2;
	_ =	strace s9  }
0x27: {  	s1 =	sld [smem:$0x3FAD]  }
0x28: {  	s2 =	sld [smem:$0x3FAE]  }
0x29: {  	s4 =	sld [smem:$0x3FB0]  }
0x2a: {  	p0 =	seq.s32 s5, $0x0;
	s5 =	sld [smem:$0x3FB1]  }
0x2b: {  	s6 =	sld [smem:$0x3FB2]  }
0x2c: {  	s7 =	sld [smem:$0x3FB3]  }
0x2d: {  	s3 =	simm.s32 $0x108;
	s8 =	sld [smem:$0x3FB4]  }
0x2e: {  	s3 =	simm.s32 @!p0 $0x1082;
	s9 =	sld [smem:$0x3FB5]  }
0x2f: {  	lr =	sadd.s32 s0, s3;
	s0 =	sld [smem:$0x3FAC]  }
0x30: {  	s3 =	sld [smem:$0x3FAF]  }
0x31: {  	[smem:$0x3FB8] =	sst s10  }
0x32: {  	s10 =	sld [smem:$0x3FB6];
	_ =	sdelay $0x3  }
0x33: {  	p0 =	seq.s32 s10, $0x1;
	s10 =	sld [smem:$0x3FB8];
	_ =	sdelay $0x3  }
0x34: {  	[smem:$0x3FB8] =	sst s10  }
0x35: {  	s10 =	sld [smem:$0x3FB7];
	_ =	sdelay $0x3  }
0x36: {  	p1 =	seq.s32 s10, $0x1;
	s10 =	sld [smem:$0x3FB8];
	_ =	sdelay $0x3  }
0x37: {  	[smem:$0x3FB8] =	sst s10  }
0x38: {  	s10 =	sld [smem:$0x3FB9]  }
0x39: {  	_ = 	snop;
	(pc) =	sbr.ind lr, $3  }
0x3a: {  	_ = 	snop  }
0x3b: {  	_ = 	snop  }
0x3c: {  	p2 =	seq.s32 s10, $0x1;
	s10 =	sld [smem:$0x3FB8]  }
0x3d: {  	_ =	shalt  }
0x3e: {  	_ =	shalt  }
0x3f: {  	_ =	shalt  }
0x40: {  	_ =	shalt  }
0x41: {  	_ =	shalt  }
0x42: {  	_ =	shalt  }
0x43: {  	_ =	shalt  }
0x44: {  	_ =	shalt  }
0x45: {  	_ =	shalt  }
0x46: {  	_ =	shalt  }
0x47: {  	_ =	shalt  }
0x48: {  	_ =	shalt  }
0x49: {  	_ =	shalt  }
0x4a: {  	_ =	shalt  }
0x4b: {  	_ =	shalt  }
0x4c: {  	_ =	shalt  }
0x4d: {  	_ =	shalt  }
0x4e: {  	_ =	shalt  }
0x4f: {  	_ =	shalt  }
0x50: {  	_ =	shalt  }
0x51: {  	_ =	shalt  }
0x52: {  	_ =	shalt  }
0x53: {  	_ =	shalt  }
0x54: {  	_ =	shalt  }
0x55: {  	_ =	shalt  }
0x56: {  	_ =	shalt  }
0x57: {  	_ =	shalt  }
0x58: {  	_ =	shalt  }
0x59: {  	_ =	shalt  }
0x5a: {  	_ =	shalt  }
0x5b: {  	_ =	shalt  }
0x5c: {  	_ =	shalt  }
0x5d: {  	_ =	shalt  }
0x5e: {  	_ =	shalt  }
0x5f: {  	_ =	shalt  }
0x60: {  	_ =	shalt  }
0x61: {  	_ =	shalt  }
0x62: {  	_ =	shalt  }
0x63: {  	_ =	shalt  }
0x64: {  	_ =	shalt  }
0x65: {  	_ =	shalt  }
0x66: {  	_ =	shalt  }
0x67: {  	_ =	shalt  }
0x68: {  	_ =	shalt  }
0x69: {  	_ =	shalt  }
0x6a: {  	_ =	shalt  }
0x6b: {  	_ =	shalt  }
0x6c: {  	_ =	shalt  }
0x6d: {  	_ =	shalt  }
0x6e: {  	_ =	shalt  }
0x6f: {  	_ =	shalt  }
0x70: {  	_ =	shalt  }
0x71: {  	_ =	shalt  }
0x72: {  	_ =	shalt  }
0x73: {  	_ =	shalt  }
0x74: {  	_ =	shalt  }
0x75: {  	_ =	shalt  }
0x76: {  	_ =	shalt  }
0x77: {  	_ =	shalt  }
0x78: {  	_ =	shalt  }
0x79: {  	_ =	shalt  }
0x7a: {  	_ =	shalt  }
0x7b: {  	_ =	shalt  }
0x7c: {  	_ =	shalt  }
0x7d: {  	_ =	shalt  }
0x7e: {  	_ =	shalt  }
0x7f: {  	_ =	shalt  }
0x80: {  	_ =	shalt  }
0x81: {  	_ =	shalt  }
0x82: {  	_ =	shalt  }
0x83: {  	_ =	shalt  }
0x84: {  	_ =	shalt  }
0x85: {  	_ =	shalt  }
0x86: {  	_ =	shalt  }
0x87: {  	_ =	shalt  }
.Lfunc_end0:
.L_simem_size_0:
called_computation_lowered:
.L_overlay_start_0:
0x88: {  	s2 =	sld [smem:$0x3FD9]  }
0x89: {  	s3 =	sld [smem:$0x3FFE];
	_ =	sdelay $0x1  }
0x8a: {  	s1 =	srdreg.scid  }
0x8b: {  	s0 =	sand.u32 $0x1, s1  }
0x8c: {  	s17 =	sshll.u32 s0, $0xA;
	s2 =	sadd.s32 s3, s2  }
0x8d: {  	s2 =	sadd.s32 s2, s17  }
0x8e: {  	[smem:$0x3FC4] =	sst s2  }
0x8f: {  	_ = 	snop  }
0x90: {  	s2 =	sld [smem:$0x3FC8]  }
0x91: {  	s18 =	sld [smem:$0x3FC7];
	(tm) =	ssettm $0x1  }
0x92: {  	s4 =	sld [smem:$0x3FFB];
	_ =	sdelay $0x3  }
0x93: {  	_ =	strace s4  }
0x94: {  	s4 =	sld [smem:$0x3FFC];
	_ =	sdelay $0x3  }
0x95: {  	_ =	strace s4  }
0x96: {  	s4 =	sld [smem:$0x3FFD];
	_ =	sdelay $0x3  }
0x97: {  	_ =	strace s4  }
0x98: {  	_ =	strace $0x8FFFFFFF  }
0x99: {  	s19 =	sld [smem:$0x3FDB];
	_ =	sdelay $0x1  }
0x9a: {  	s5 =	simm.s32 $_scs_section_size  }
0x9b: {  	s6 =	simm.s32 $_size__tile_overlayer_lowered;
	s7 =	simm.s32 $_tile_overlayer_lowered  }
0x9c: {  	s22 =	simm.s32 $0x1BFF;
	s21 =	sshll.u32 s7, $0x1;
	s4 =	sadd.s32 s5, s19  }
0x9d: {  	s8 =	simm.s32 $0x0;
	s20 =	sshll.u32 s6, $0x1;
	s6 =	sadd.s32 s21, s4  }
0x9e: {  	[timem:s8], [sflag:s22] =	dma.local [hbm:s6], s20  }
0x9f: {  	_ =	swait.ge [sflag:s22], s20  }
0xa0: {  	s5 =	ssub.s32 $0x0, s20;
	[sflag:s22] =	ssyncset.done $0x0  }
0xa1: {  	[sflag:s22] =	ssyncadd.s32 s5;
	_ =	sdelay $0x1  }
0xa2: {  	s23 =	simm.s32 $0x1B8B  }
0xa3: {  	_ =	swait.ge [sflag:s23], $0x1  }
0xa4: {  	[sflag:s23] =	ssyncset.done $0x0  }
0xa5: {  	s25 =	simm.s32 $0x1B8E;
	s24 =	sld [smem:$0x3FFE];
	[sflag:s23] =	ssyncadd.s32 $0xFFFFFFFF  }
0xa6: {  	s26 =	simm.s32 $execute0_lowered;
	[smem:$0x3FD2] =	sst s25  }
0xa7: {  	s6 =	sshll.u32 s26, $0x1;
	_ =	strace $0x80000046;
	[dreg:$0x1] =	wrdreg $0xFFFFFFFF  }
0xa8: {  	s28 =	simm.s32 $_size_execute0_lowered;
	s4 =	sadd.s32 s4, s6;
	[dreg:$0x0] =	wrdreg $0x0  }
0xa9: {  	s6 =	sshll.u32 s28, $0x1;
	[dreg:$0x2] =	wrdreg s4  }
0xaa: {  	[dreg:$0x3] =	wrdreg s6  }
0xab: {  	[dreg:$0x4] =	wrdreg $0xC0  }
0xac: {  	_ =	task [dreg:s8], $0x5FFFF  }
0xad: {  	[dreg:$0x1] =	wrdreg $0xFFFFFFFF  }
0xae: {  	[dreg:$0x0] =	wrdreg $0x60  }
0xaf: {  	[dreg:$0x2] =	wrdreg s24  }
0xb0: {  	[dreg:$0x3] =	wrdreg s18  }
0xb1: {  	[dreg:$0x4] =	wrdreg s2  }
0xb2: {  	[dreg:$0x5] =	wrdreg $0x9  }
0xb3: {  	_ =	task.clear_ibuf [dreg:s8], $0x6FFFF;
	_ =	strace $0x90000046  }
0xb4: {  	s29 =	simm.s32 $0x9;
	_ =	strace $0x80000048  }
0xb5: {  	_ =	swait.ge [sflag:s29], $0x1  }
0xb6: {  	[sflag:s29] =	ssyncadd.s32 $0xFFFFFFFF  }
0xb7: {  	_ =	strace $0x90000048  }
0xb8: {  	_ =	sfence  }
0xb9: {  	s30 =	sld [smem:$0x0];
	_ =	sdelay $0x2  }
0xba: {  	s31 =	sshll.u32 s1, $0xD;
	s1 =	sshrl.u32 s1, $0x2  }
0xbb: {  	s3 =	sand.u32 $0x4000, s31;
	s1 =	sadd.s32 s1, s30  }
0xbc: {  	s0 =	sor.u32 s3, s0;
	s1 =	sshll.u32 s1, $0x11  }
0xbd: {  	s0 =	sor.u32 s1, s0  }
0xbe: {  	s0 =	sadd.s32 $0x8F2B, s0  }
0xbf: {  	[sflag:s0] =	ssyncadd.remote.s32 $0x1  }
0xc0: {  	_ =	sfence.sel $0xFFFF  }
0xc1: {  	[dreg:$0x0] =	wrdreg $0xFFFFFFFF;
	(pc) =	sbr.abs _section_cstart, $3  }
0xc2: {  	[dreg:$0x1] =	wrdreg $0xFFFFFFFF  }
0xc3: {  	_ =	task.clear_ibuf [dreg:s8], $0x2FFFF;
	_ =	strace $0x9FFFFFFF  }
0xc4: {  	(tm) =	ssettm $0x7FFFFFFF  }
0xc5: {  	_ =	shalt  }
tec
execute0_lowered:
.L_overlay_start_1:
0x0: {  	(tag) =	ssettag $0x1  }
0x1: {  	s0 =	rddreg [dreg:$0x0]  }
0x2: {  	s2 =	rddreg [dreg:$0x1]  }
0x3: {  	s3 =	rddreg [dreg:$0x2]  }
0x4: {  	s13 =	stileid.u32;
	s1 =	srdreg.scid  }
0x5: {  	s4 =	simm.s32 $0x0;
	s15 =	simm.s32 $0x1;
	s16 =	simm.s32 $0xC380  }
0x6: {  	s18 =	simm.s32 $0x2;
	s23 =	simm.s32 $0x0;
	s1 =	sand.u32 $0x1, s1  }
0x7: {  	s5 =	sshll.u32 s13, $0x1;
	[smem:$0x7FF] =	sst s4;
	s7 =	sshll.u32 s13, $0x7  }
0x8: {  	p0 =	sgt.u32 s13, $0x9;
	s8 =	sor.u32 s1, s5;
	_ =	strace $0x80000047  }
0x9: {  	s5 =	sadd.s32 $0x600, s0;
	s7 =	sand.u32 $0x600, s7;
	s1 =	ssub.s32 $0x2, s1  }
0xa: {  	s6 =	smul.u32 $0x186, s8;
	s9 =	smin.u32 s8, $0x14;
	s12 =	sshll.u32 s8, $0x4  }
0xb: {  	s0 =	sadd.s32 s7, s0;
	s28 =	sshrl.u32 s1, $0x1;
	s31 =	sand.u32 $0x70, s12  }
0xc: {  	s1 =	ssub.s32 s1, s28;
	s6 =	sadd.s32 s9, s6;
	s0 =	sadd.s32 s31, s0  }
0xd: {  	s12 =	smax.u32 s1, $0x1;
	s9 =	sshll.u32 s6, $0x5;
	s10 =	sadd.s32 $0x186, s6  }
0xe: {  	s29 =	sshll.u32 s6, $0x4;
	s7 =	sadd.s32 s2, s9;
	s11 =	sshll.u32 s10, $0x5  }
0xf: {  	s8 =	sadd.s32 s3, s29;
	s10 =	sshll.u32 s10, $0x4;
	s30 =	sand.u32 $0x1FFFFFE0, s11  }
0x10: {  	v0 =	vimm.f32 $0.0e+00;
	s10 =	sadd.s32 s3, s10;
	s11 =	sadd.s32 $0x2000, s0;
	s9 =	sadd.s32 s2, s30  }
.LBB2_1:
0x11: {  	[tilespmem:s4], [sflag:$0x1] =	stream.linear.gather [hbm4b:s5+s4], $0xC380, $0x38;
	[tilespmem:$0x13E00] =	vst v63  }
0x12: {  	s0 =	simm.s32 $0xC780  }
0x13: {  	[tilespmem:s0], [sflag:$0x1] =	stream.linear.gather [hbm4b:s7+s4], $0x2700, $0x38;
	[tilespmem:$0x13E00] =	vst v63  }
0x14: {  	s31 =	simm.s32 $0x11580  }
0x15: {  	[tilespmem:s31], [sflag:$0x1] =	stream.linear.gather [hbm4b:s8+s4], $0x1380, $0x38;
	[tilespmem:$0x13E00] =	vst v63  }
0x16: {  	[tilespmem:$0xC380] =	vst v0  }
0x17: {  	[tilespmem:$0xC390] =	vst v0  }
0x18: {  	[tilespmem:$0xC3A0] =	vst v0  }
0x19: {  	[tilespmem:$0xC3B0] =	vst v0  }
0x1a: {  	[tilespmem:$0xC3C0] =	vst v0  }
0x1b: {  	[tilespmem:$0xC3D0] =	vst v0  }
0x1c: {  	[tilespmem:$0xC3E0] =	vst v0  }
0x1d: {  	[tilespmem:$0xC3F0] =	vst v0  }
0x1e: {  	[tilespmem:$0xC400] =	vst v0  }
0x1f: {  	[tilespmem:$0xC410] =	vst v0  }
0x20: {  	[tilespmem:$0xC420] =	vst v0  }
0x21: {  	[tilespmem:$0xC430] =	vst v0  }
0x22: {  	[tilespmem:$0xC440] =	vst v0  }
0x23: {  	[tilespmem:$0xC450] =	vst v0  }
0x24: {  	[tilespmem:$0xC460] =	vst v0  }
0x25: {  	[tilespmem:$0xC470] =	vst v0  }
0x26: {  	[tilespmem:$0xC480] =	vst v0  }
0x27: {  	[tilespmem:$0xC490] =	vst v0  }
0x28: {  	[tilespmem:$0xC4A0] =	vst v0  }
0x29: {  	[tilespmem:$0xC4B0] =	vst v0  }
0x2a: {  	[tilespmem:$0xC4C0] =	vst v0  }
0x2b: {  	[tilespmem:$0xC4D0] =	vst v0  }
0x2c: {  	[tilespmem:$0xC4E0] =	vst v0  }
0x2d: {  	[tilespmem:$0xC4F0] =	vst v0  }
0x2e: {  	[tilespmem:$0xC500] =	vst v0  }
0x2f: {  	[tilespmem:$0xC510] =	vst v0  }
0x30: {  	[tilespmem:$0xC520] =	vst v0  }
0x31: {  	[tilespmem:$0xC530] =	vst v0  }
0x32: {  	[tilespmem:$0xC540] =	vst v0  }
0x33: {  	[tilespmem:$0xC550] =	vst v0  }
0x34: {  	[tilespmem:$0xC560] =	vst v0  }
0x35: {  	[tilespmem:$0xC570] =	vst v0  }
0x36: {  	_ =	swait.ge [sflag:s15], $0xC380  }
0x37: {  	[sflag:s15] =	ssyncset.done $0x0  }
0x38: {  	p1 =	por $0x0, $0x0;
	s24 =	simm.s32 $0x0;
	[sflag:s15] =	ssyncadd.s32 $0xFFFF3C80  }
.LBB2_3:
0x39: {  	s0 =	simm.s32 $0x1  }
0x3a: {  	s0 =	simm.s32 @!p1 $0x0  }
0x3b: {  	s22 =	smov.u32 s24;
	s1 =	smul.u32 $0x1380, s0  }
0x3c: {  	s24 =	sadd.s32 $0x1, s24;
	p2 =	seq.s32 s22, $0x9  }
0x3d: {  	s17 =	smul.u32 @!p2 $0x27, s24;
	[dreg:$0x4] =	wrdreg s1  }
0x3e: {  	s25 =	sand.u32 @!p2 $0x1, s24;
	s0 =	smul.u32 $0x4E00, s0;
	_ =	swait.ge [sflag:s15], $0x2700  }
0x3f: {  	s29 =	simm.s32 @!p2 $0x0;
	s26 =	smul.u32 @!p2 $0x9C00, s25;
	[sflag:s15] =	ssyncset.done $0x0  }
0x40: {  	s25 =	smul.u32 @!p2 $0x4E00, s25;
	s17 =	sadd.s32 @!p2 s6, s17;
	[sflag:s15] =	ssyncadd.s32 $0xFFFFD900  }
0x41: {  	s28 =	sand.u32 @!p2 $0x1FFFFFF, s17;
	s17 =	sshll.u32 @!p2 s17, $0x5;
	_ =	swait.ge [sflag:s15], $0x1380  }
0x42: {  	s26 =	sshrl.u32 @!p2 s26, $0x2;
	s17 =	sand.u32 @!p2 $0x1FFFFFE0, s17;
	[sflag:s15] =	ssyncset.done $0x0  }
0x43: {  	s26 =	sadd.s32 @!p2 $0xC780, s26;
	s17 =	sadd.s32 @!p2 s2, s17;
	[sflag:s15] =	ssyncadd.s32 $0xFFFFEC80  }
0x44: {  	[tilespmem:s26], [sflag:$0x1] =	stream.linear.gather @!p2 [hbm4b:s17+s29], $0x2700, $0x38;
	[tilespmem:$0x13E00] =	vst v63  }
0x45: {  	s25 =	sshrl.u32 @!p2 s25, $0x2;
	s17 =	sshll.u32 @!p2 s28, $0x4  }
0x46: {  	s0 =	sshrl.u32 s0, $0x2;
	s25 =	sadd.s32 @!p2 $0x11580, s25;
	s17 =	sadd.s32 @!p2 s3, s17  }
0x47: {  	[tilespmem:s25], [sflag:$0x1] =	stream.linear.gather @!p2 [hbm4b:s17+s29], $0x1380, $0x38;
	[tilespmem:$0x13E00] =	vst v63  }
0x48: {  	s29 =	sadd.s32 $0x115B0, s0  }
0x49: {  	s1 =	sand.u32 $0x1, s22;
	v4 =	vld [tilespmem:s29+$0x10]  }
0x4a: {  	s25 =	smul.u32 $0x9C00, s1;
	v6 =	vld [tilespmem:s29+$0x20]  }
0x4b: {  	v1 =	vld [tilespmem:s29+$0x0]  }
0x4c: {  	s26 =	simm.s32 $0x0;
	v8 =	vld [tilespmem:s29+$0xFFFFFFF0];
	s0 =	sshrl.u32 s25, $0x2  }
0x4d: {  	s31 =	sand.u32 $0x3F00, s26;
	s25 =	sadd.s32 $0xC780, s0  }
0x4e: {  	s30 =	rddreg [dreg:$0x4];
	s1 =	sand.u32 $0x60, s26;
	s0 =	sadd.s32 s31, s25  }
0x4f: {  	s17 =	sadd.s32 $0x0, s30;
	s0 =	sadd.s32 s1, s0;
	(erf) = vrcp.f32 v4;
	v2 =	vmul.f32 $1.920000000e+02, v6  }
0x50: {  	s28 =	simm.s32 $0x40;
	s17 =	sand.u32 $0x3F80, s17;
	v11 =	vld [tilespmem:s0+$0x0];
	v3 =	vmul.f32 $1.920000000e+02, v1;
	v5 =	vmul.f32 $1.920000000e+02, v4  }
0x51: {  	s21 =	simm.s32 $0x20;
	s22 =	sand.u32 $0x7F00, s28;
	s1 =	sor.u32 s1, s17;
	v14 =	vld [tilespmem:s0+$0x80];
	v7 =	vmul.f32 $1.920000000e+02, v8;
	v19 =	vmul.f32 v1, v1  }
0x52: {  	s13 =	simm.s32 $0x80;
	s26 =	sadd.s32 s22, s25;
	s17 =	sand.u32 $0x60, s21;
	v13 =	vld [tilespmem:s1+$0x11580];
	v10 =	vmul.f32 v4, v4;
	v21 =	vmul.f32 v8, v8  }
0x53: {  	s20 =	sand.u32 $0x60, s28;
	v18 =	vld [tilespmem:s0+$0x10];
	v27 =	vmul.f32 v6, v6;
	s17 =	sadd.s32 s17, s26;
	s26 =	simm.s32 $0x60;
	(erf) = vrcp.f32 v6  }
0x54: {  	s28 =	simm.s32 $0x30;
	s14 =	sadd.s32 $0x11580, s1;
	v53 =	vld [tilespmem:s0+$0x90];
	s30 =	sand.u32 $0x7F00, s26;
	v2 =	vsub.f32 $2.400000000e+02, v2;
	(erf) = vrcp.f32 v1;
	v16 =	vmul.f32 $2.748334410e-01, v10  }
0x55: {  	s19 =	sand.u32 $0x7F00, s13;
	s28 =	sand.u32 $0x70, s28;
	v15 =	vld [tilespmem:s14+$0x10];
	v3 =	vsub.f32 $2.400000000e+02, v3;
	v25 =	vmul.f32 v19, v1;
	s30 =	sadd.s32 s30, s25;
	v33 =	vmul.f32 $2.748334410e-01, v19  }
0x56: {  	s1 =	sadd.s32 s19, s25;
	v23 =	vld [tilespmem:s17+$0x80];
	v5 =	vsub.f32 $2.400000000e+02, v5;
	v38 =	vmul.f32 v10, v4;
	v59 =	vmul.f32 v27, v6;
	s28 =	sadd.s32 s28, s30;
	s30 =	simm.s32 $0xA0  }
0x57: {  	s31 =	simm.s32 $0x50;
	s1 =	sadd.s32 s20, s1;
	v35 =	vld [tilespmem:s17+$0x0];
	v20 =	vsub.f32 $2.400000000e+02, v7;
	v2 =	vmul.f32 v2, v6;
	v3 =	vmul.f32 v3, v1;
	s17 =	sand.u32 $0x7F00, s30  }
0x58: {  	s0 =	sand.u32 $0x70, s31;
	v26 =	vld [tilespmem:s1+$0x80];
	v1 =	vadd.f32 $-4.891753200e-01, v16;
	v28 =	vmul.f32 v5, v4;
	v33 =	vadd.f32 $-4.891753200e-01, v33;
	s17 =	sadd.s32 s17, s25  }
0x59: {  	v56 =	vld [tilespmem:s1+$0x0];
	v22 =	vmul.f32 v13, v13;
	v32 =	vmul.f32 $1.920000000e+02, v13;
	vm3 =	vlt.s32 v11, v14;
	s0 =	sadd.s32 s0, s17  }
0x5a: {  	vm0 =	vlt.s32 v18, v53;
	(erf) = vrcp.f32 v15;
	v17 =	vmul.f32 v15, v15;
	v42 =	vld [tilespmem:s0+$0x0]  }
0x5b: {  	v24 =	vadd.f32 $-8.000000000e+01, v3;
	v30 =	vadd.f32 $-8.000000000e+01, v2;
	v29 =	vmul.f32 v1, v10;
	v43 =	vld [tilespmem:s0+$0x80]  }
0x5c: {  	vm5 =	vlt.s32 v35, v23;
	v19 =	vmul.f32 v33, v19;
	(erf) = vrcp.f32 v13;
	v12 =	vld.idx.msk [tilespmem:v11+s4+$0x0], $0xffff  }
0x5d: {  	v2 =	vmul.f32 $2.748334410e-01, v22;
	v37 =	vmul.f32 v22, v13;
	v4 =	vsub.f32 $2.400000000e+02, v32;
	v7 =	vld.idx.msk [tilespmem:v14+s4+$0x0], $0xffff  }
0x5e: {  	vm2 =	vlt.s32 v56, v26;
	(erf) = vrcp.f32 v8;
	v9 =	vmul.f32 v17, v15;
	v16 =	vld.idx.msk [tilespmem:v18+s4+$0x0], $0xffff  }
0x5f: {  	v3 =	vmul.f32 $2.748334410e-01, v17;
	v29 =	vadd.f32 $9.997018570e-01, v29;
	v18 =	vld.idx.msk [tilespmem:v53+s4+$0x0], $0xffff;
	v6 =	vmul.f32 v24, v25  }
0x60: {  	v25 =	vmul.f32 $2.748334410e-01, v27;
	v34 =	vadd.f32 $-4.891753200e-01, v2;
	v2 =	vld [tilespmem:s28+$0x0];
	v40 =	vmul.f32 v4, v13  }
0x61: {  	v24 =	vadd.f32 $9.997018570e-01, v19;
	v4 =	vmul.f32 $2.748334410e-01, v21;
	v3 =	vadd.f32 $-4.891753200e-01, v3;
	v31 =	vld.idx.msk [tilespmem:v26+s4+$0x0], $0xffff  }
0x62: {  	v39 =	vld.idx.msk [tilespmem:v23+s4+$0x0], $0xffff;
	v63 =	vadd.f32 $-4.891753200e-01, v25;
	v22 =	vmul.f32 v34, v22;
	v58 =	vadd.f32 $-8.000000000e+01, v40  }
0x63: {  	v17 =	vmul.f32 v3, v17;
	vm1 =	vlt.s32 v42, v43;
	v5 =	vand.u32 $0xFFFFFE00, v12  }
0x64: {  	v1 =	vpop (erf);
	v36 =	vand.u32 $0xFFFFFE00, v7;
	v54 =	vand.u32 $0xFFFFFE00, v16;
	v22 =	vadd.f32 $9.997018570e-01, v22  }
0x65: {  	v60 =	vmul.f32 v58, v37;
	v18 =	vand.u32 $0xFFFFFE00, v18;
	v3 =	vpop (erf);
	v10 =	vmul.f32 v36, v5  }
0x66: {  	v14 =	vld [tilespmem:s28+$0x80];
	v7 =	vpop (erf);
	v41 =	vand.u32 $0xFFFFFE00, v31;
	v31 =	vmul.f32 v21, v8;
	v8 =	vmul.f32 v20, v8  }
0x67: {  	v55 =	vadd.f32 $9.997018570e-01, v17;
	v57 =	vand.u32 $0xFFFFFE00, v39;
	v20 =	vadd.f32 $-8.000000000e+01, v28;
	v5 =	vpop (erf)  }
0x68: {  	v28 =	vadd.f32 $-4.891753200e-01, v4;
	v4 =	vand.u32 $0x1FF, v16;
	v16 =	vld.idx.msk [tilespmem:v35+s4+$0x0], $0xffff;
	v17 =	vpop (erf);
	v8 =	vadd.f32 $-8.000000000e+01, v8  }
0x69: {  	v11 =	vld.idx.msk [tilespmem:v2+s4+$0x0], $0xffff;
	v38 =	vmul.f32 v20, v38;
	v23 =	vsub.f32 v22, v17;
	v22 =	vmul.f32 $1.920000000e+02, v15  }
0x6a: {  	v33 =	vadd.f32 $1.000000000e+00, v60;
	v20 =	vmul.f32 v8, v31;
	v8 =	vmul.f32 v28, v21;
	v21 =	vld.idx.msk [tilespmem:v56+s4+$0x0], $0xffff  }
0x6b: {  	v18 =	vmul.f32 v18, v54;
	v13 =	vsub.f32 v55, v5;
	v31 =	vadd.f32 $1.000000000e+00, v38  }
0x6c: {  	v35 =	vmul.f32 v63, v27;
	v28 =	vadd.f32 $1.000000000e+00, v6;
	v19 =	vsub.f32 $2.400000000e+02, v22  }
0x6d: {  	v22 =	vsub.f32 v29, v1;
	v62 =	vand.u32 $0xFFFFFE00, v16;
	v61 =	vadd.f32 $9.997018570e-01, v8  }
0x6e: {  	v34 =	vld.idx.msk [tilespmem:v14+s4+$0x0], $0xffff;
	v32 =	vmul.f32 v19, v15;
	v8 =	vand.u32 $0x1FF, v11;
	v19 =	vmul.f32 v30, v59  }
0x6f: {  	v6 =	vpop (erf);
	v29 =	vld.idx.msk [tilespmem:v42+s4+$0x0], $0xffff;
	v15 =	vmul.f32 v57, v62;
	v30 =	vmax.f32 v31, $0.0e+00;
	v26 =	vand.u32 $0xFFFFFE00, v21  }
0x70: {  	s29 =	sadd.s32 $0x60, s29;
	s28 =	simm.s32 $0xC0;
	v31 =	vld.idx.msk [tilespmem:v43+s4+$0x0], $0xffff;
	v25 =	vsub.f32 v61, v6;
	v19 =	vadd.f32 $1.000000000e+00, v19;
	v26 =	vmul.f32 v41, v26  }
.LBB2_4:
0x71: {  	v36 =	vadd.f32 $1.000000000e+00, v20  }
0x72: {  	v12 =	vand.u32 $0x1FF, v12;
	vm4 =	vmmov vm5;
	v41 =	vand.u32 $0x1FF, v16  }
0x73: {  	v27 =	vld [tilespmem:s29+$0x10];
	v11 =	vand.u32 $0xFFFFFE00, v11;
	v24 =	vsub.f32 v24, v7;
	v33 =	vmax.f32 v33, $0.0e+00  }
0x74: {  	v20 =	vld [tilespmem:s29+$0x20];
	v38 =	vmax.f32 v28, $0.0e+00;
	v32 =	vadd.f32 $-8.000000000e+01, v32;
	v59 =	vadd.f32 $9.997018570e-01, v35  }
0x75: {  	v61 =	vmax.f32 v19, $0.0e+00;
	v23 =	vmul.f32 v33, v23;
	v60 =	vmax.f32 v36, $0.0e+00  }
0x76: {  	v39 =	vld [tilespmem:s29+$0x0];
	v58 =	vmul.f32 v38, v24;
	v9 =	vmul.f32 v32, v9;
	v62 =	vsub.f32 v59, v3  }
0x77: {  	s1 =	sadd.s32 $0x80, s28;
	s30 =	rddreg [dreg:$0x4];
	v35 =	vmul.f32 v60, v25;
	v37 =	vand.u32 $0xFFFFFE00, v29;
	v28 =	vand.u32 $0xFFFFFE00, v34  }
0x78: {  	s31 =	sadd.s32 $0x40, s26;
	s14 =	sand.u32 $0x3F00, s28;
	s1 =	sand.u32 $0x7F00, s1;
	v17 =	vadd.f32 v23, v17;
	v23 =	vand.u32 $0xFFFFFE00, v31;
	(erf) = vrcp.f32 v27  }
0x79: {  	s31 =	sand.u32 $0x60, s31;
	s22 =	sadd.s32 s26, s30;
	s1 =	sadd.s32 s1, s25;
	v31 =	vmul.f32 $1.920000000e+02, v20;
	v33 =	vadd.f32 v58, v7;
	v7 =	vmul.f32 v30, v22  }
0x7a: {  	s30 =	sand.u32 $0x60, s26;
	s31 =	sadd.s32 s31, s1;
	s1 =	sand.u32 $0x3F80, s22;
	v24 =	vld [tilespmem:s29+$0xFFFFFFF0];
	v22 =	vand.u32 $0x1FF, v29;
	v30 =	vmul.f32 v61, v62;
	v59 =	vmul.f32 $1.920000000e+02, v27  }
0x7b: {  	s14 =	sadd.s32 s14, s25;
	v19 =	vld [tilespmem:s31+$0x80];
	s21 =	sor.u32 s30, s1;
	v9 =	vadd.f32 $1.000000000e+00, v9;
	v42 =	vmul.f32 v39, v39;
	v11 =	vmul.f32 v28, v11  }
0x7c: {  	s1 =	sadd.s32 s30, s14;
	v63 =	vld [tilespmem:s21+$0x11580];
	v35 =	vadd.f32 v35, v6;
	(erf) = vrcp.f32 v20;
	v10 =	vmul.f32 v10, v17  }
0x7d: {  	s0 =	sadd.s32 $0x60, s28;
	s17 =	smov.u32 s26;
	v29 =	vld [tilespmem:s1+$0x0];
	v17 =	vmul.f32 v27, v27;
	(erf) = vrcp.f32 v39;
	v7 =	vadd.f32 v7, v1  }
0x7e: {  	s20 =	sadd.s32 $0x30, s26;
	s0 =	sand.u32 $0x7F00, s0;
	s22 =	sadd.s32 $0x11580, s21;
	v36 =	vld [tilespmem:s1+$0x80];
	v1 =	vmul.f32 $1.920000000e+02, v39;
	v45 =	vmax.f32 v9, $0.0e+00;
	v9 =	vmul.f32 v23, v37  }
0x7f: {  	s19 =	sadd.s32 $0x50, s26;
	s20 =	sand.u32 $0x70, s20;
	s0 =	sadd.s32 s0, s25;
	v25 =	vld [tilespmem:s22+$0x10];
	v31 =	vsub.f32 $2.400000000e+02, v31;
	v53 =	vmul.f32 $2.748334410e-01, v42;
	v33 =	vmul.f32 v11, v33  }
0x80: {  	s13 =	sadd.s32 $0xA0, s28;
	s30 =	sadd.s32 s20, s0;
	s21 =	sadd.s32 $0x40, s28;
	v40 =	vadd.f32 v30, v3;
	v30 =	vld [tilespmem:s1+$0x10];
	v15 =	vmul.f32 v15, v35;
	v3 =	vmul.f32 $1.920000000e+02, v24  }
0x81: {  	s14 =	sand.u32 $0x7F00, s13;
	s22 =	sadd.s32 $0x20, s17;
	s13 =	sand.u32 $0x7F00, s21;
	v38 =	vsub.f32 $2.400000000e+02, v59;
	v32 =	vmul.f32 v24, v24;
	[tilespmem:v12+s16+$0x0] =	vst.idx.add.f32.msk vm3, v10;
	v10 =	vmul.f32 $2.748334410e-01, v17  }
0x82: {  	s0 =	sadd.s32 s14, s25;
	s14 =	sand.u32 $0x60, s22;
	s13 =	sadd.s32 s13, s25;
	v13 =	vmul.f32 v45, v13;
	v44 =	vsub.f32 $2.400000000e+02, v1;
	v16 =	vmul.f32 v31, v20  }
0x83: {  	v21 =	vand.u32 $0x1FF, v21;
	s20 =	sand.u32 $0x70, s19;
	s13 =	sadd.s32 s14, s13;
	v40 =	vmul.f32 v9, v40;
	v38 =	vmul.f32 v38, v27  }
0x84: {  	vm6 =	vlt.s32 v2, v14;
	s0 =	sadd.s32 s20, s0;
	v60 =	vld [tilespmem:s13+$0x80];
	v27 =	vmul.f32 v17, v27;
	v31 =	vmul.f32 v44, v39  }
0x85: {  	v46 =	vld [tilespmem:s0+$0x0];
	v43 =	vsub.f32 $2.400000000e+02, v3;
	v47 =	vmul.f32 v63, v63;
	v61 =	vmul.f32 $2.748334410e-01, v32;
	v1 =	vpop (erf)  }
0x86: {  	v14 =	vld [tilespmem:s13+$0x0];
	v44 =	vmul.f32 v26, v7;
	v37 =	vadd.f32 $-8.000000000e+01, v31;
	v3 =	vpop (erf);
	(erf) = vrcp.f32 v25  }
0x87: {  	v23 =	vld.idx.msk [tilespmem:v36+s4+$0x0], $0xffff;
	v31 =	vadd.f32 $-8.000000000e+01, v16;
	v16 =	vmul.f32 v25, v25;
	v7 =	vpop (erf);
	(erf) = vrcp.f32 v63  }
0x88: {  	v2 =	vld [tilespmem:s30+$0x0];
	v13 =	vadd.f32 v13, v5;
	v62 =	vmul.f32 v32, v24;
	(erf) = vrcp.f32 v24  }
0x89: {  	v5 =	vadd.f32 $-4.891753200e-01, v10;
	v26 =	vmul.f32 v20, v20;
	v12 =	vld.idx.msk [tilespmem:v29+s4+$0x0], $0xffff;
	v10 =	vmul.f32 $2.748334410e-01, v16  }
0x8a: {  	v54 =	vld [tilespmem:s31+$0x0];
	vm3 =	vlt.s32 v29, v36;
	v39 =	vmul.f32 v42, v39;
	v50 =	vmul.f32 $2.748334410e-01, v47  }
0x8b: {  	v51 =	vmul.f32 v5, v17;
	v52 =	vld.idx.msk [tilespmem:v19+s4+$0x0], $0xffff;
	v55 =	vmul.f32 v47, v63;
	v57 =	vadd.f32 $-4.891753200e-01, v10  }
0x8c: {  	v56 =	vld [tilespmem:s1+$0x90];
	v13 =	vmul.f32 v18, v13;
	v29 =	vmul.f32 $1.920000000e+02, v25;
	v5 =	vand.u32 $0xFFFFFE00, v23  }
0x8d: {  	v58 =	vmul.f32 v26, v20;
	v50 =	vadd.f32 $-4.891753200e-01, v50;
	v48 =	vld.idx.msk [tilespmem:v30+s4+$0x0], $0xffff;
	v57 =	vmul.f32 v57, v16  }
0x8e: {  	vm5 =	vlt.s32 v14, v60;
	v9 =	vmul.f32 v16, v25;
	v28 =	vld.idx.msk [tilespmem:v60+s4+$0x0], $0xffff;
	v49 =	vand.u32 $0xFFFFFE00, v12  }
0x8f: {  	v59 =	vsub.f32 $2.400000000e+02, v29;
	[tilespmem:v4+s16+$0x0] =	vst.idx.add.f32.msk vm0, v13;
	v10 =	vmul.f32 v5, v49;
	v11 =	vadd.f32 $9.997018570e-01, v57;
	v5 =	vpop (erf)  }
0x90: {  	v29 =	vmul.f32 $2.748334410e-01, v26;
	v47 =	vmul.f32 v50, v47;
	v52 =	vand.u32 $0xFFFFFE00, v52;
	v50 =	vld [tilespmem:s0+$0x80];
	v17 =	vpop (erf)  }
0x91: {  	v24 =	vmul.f32 v43, v24;
	v43 =	vadd.f32 $-8.000000000e+01, v38;
	v13 =	vsub.f32 v11, v5;
	v11 =	vld.idx.msk [tilespmem:v2+s4+$0x0], $0xffff;
	v16 =	vpop (erf)  }
0x92: {  	vm0 =	vlt.s32 v30, v56;
	v23 =	vmul.f32 $1.920000000e+02, v63;
	v4 =	vadd.f32 $9.997018570e-01, v47;
	v6 =	vmovc v16;
	v16 =	vld.idx.msk [tilespmem:v14+s4+$0x0], $0xffff  }
0x93: {  	v30 =	vmul.f32 v37, v39;
	v49 =	vadd.f32 $-4.891753200e-01, v61;
	v24 =	vadd.f32 $-8.000000000e+01, v24;
	v14 =	vld [tilespmem:s30+$0x80]  }
0x94: {  	v27 =	vmul.f32 v43, v27;
	v61 =	vadd.f32 $-4.891753200e-01, v29;
	v23 =	vsub.f32 $2.400000000e+02, v23;
	[tilespmem:v41+s16+$0x0] =	vst.idx.add.f32.msk vm4, v15  }
0x95: {  	v18 =	vand.u32 $0xFFFFFE00, v48;
	v20 =	vmul.f32 v24, v62;
	v32 =	vmul.f32 v49, v32;
	[tilespmem:v8+s16+$0x0] =	vst.idx.add.f32.msk vm6, v33  }
0x96: {  	v27 =	vadd.f32 $1.000000000e+00, v27;
	v34 =	vmul.f32 v23, v63;
	v63 =	vadd.f32 $-4.891753200e-01, v53;
	[tilespmem:v21+s16+$0x0] =	vst.idx.add.f32.msk vm2, v44  }
0x97: {  	v35 =	vmul.f32 v61, v26;
	v36 =	vadd.f32 $9.997018570e-01, v32;
	v32 =	vmul.f32 v59, v25;
	v57 =	vld.idx.msk [tilespmem:v56+s4+$0x0], $0xffff  }
0x98: {  	v53 =	vmul.f32 v63, v42;
	v23 =	vsub.f32 v4, v17;
	v4 =	vand.u32 $0x1FF, v48;
	[tilespmem:v22+s16+$0x0] =	vst.idx.add.f32.msk vm1, v40  }
0x99: {  	v15 =	vand.u32 $0xFFFFFE00, v28;
	v28 =	vadd.f32 $9.997018570e-01, v51;
	v8 =	vadd.f32 $-8.000000000e+01, v34;
	v21 =	vld.idx.msk [tilespmem:v54+s4+$0x0], $0xffff  }
0x9a: {  	p2 =	seq.s32 s26, $0x1320;
	v24 =	vadd.f32 $9.997018570e-01, v53;
	v25 =	vsub.f32 v36, v6;
	vm2 =	vlt.s32 v54, v19  }
.Ltmp0:
0x9b: {  	v19 =	vmul.f32 v31, v58;
	v8 =	vmul.f32 v8, v55;
	v22 =	vsub.f32 v28, v1;
	(pc) =	sbr.rel @!p2 .LBB2_4-.Ltmp0, $4  }
0x9c: {  	v28 =	vadd.f32 $1.000000000e+00, v30;
	vm1 =	vlt.s32 v46, v50;
	v30 =	vmax.f32 v27, $0.0e+00  }
0x9d: {  	v29 =	vld.idx.msk [tilespmem:v46+s4+$0x0], $0xffff;
	v19 =	vadd.f32 $1.000000000e+00, v19;
	v60 =	vand.u32 $0xFFFFFE00, v16;
	v33 =	vadd.f32 $1.000000000e+00, v8  }
0x9e: {  	v31 =	vld.idx.msk [tilespmem:v50+s4+$0x0], $0xffff;
	v15 =	vmul.f32 v15, v60;
	v62 =	vand.u32 $0xFFFFFE00, v57;
	v63 =	vand.u32 $0xFFFFFE00, v21  }
0x9f: {  	s26 =	sadd.s32 $0x60, s26;
	s29 =	sadd.s32 $0x60, s29;
	s28 =	sadd.s32 $0xC0, s28;
	v8 =	vand.u32 $0x1FF, v11;
	v34 =	vld.idx.msk [tilespmem:v14+s4+$0x0], $0xffff;
	v18 =	vmul.f32 v62, v18;
	v26 =	vmul.f32 v52, v63  }
0xa0: {  	v24 =	vsub.f32 v24, v7;
	v27 =	vadd.f32 $-8.000000000e+01, v32  }
0xa1: {  	v20 =	vadd.f32 $1.000000000e+00, v20;
	v12 =	vand.u32 $0x1FF, v12;
	vm4 =	vmmov vm5  }
0xa2: {  	v33 =	vmax.f32 v33, $0.0e+00;
	v55 =	vmax.f32 v28, $0.0e+00;
	v9 =	vmul.f32 v27, v9  }
0xa3: {  	v57 =	vadd.f32 $9.997018570e-01, v35;
	v21 =	vand.u32 $0x1FF, v21;
	v19 =	vmax.f32 v19, $0.0e+00  }
0xa4: {  	v22 =	vmul.f32 v30, v22;
	v16 =	vand.u32 $0x1FF, v16;
	v9 =	vadd.f32 $1.000000000e+00, v9  }
0xa5: {  	vm15 =	vlt.s32 v2, v14;
	v61 =	vand.u32 $0xFFFFFE00, v11;
	v23 =	vmul.f32 v33, v23  }
0xa6: {  	v54 =	vand.u32 $0xFFFFFE00, v29;
	v24 =	vmul.f32 v55, v24;
	v9 =	vmax.f32 v9, $0.0e+00  }
0xa7: {  	v20 =	vmax.f32 v20, $0.0e+00;
	v27 =	vsub.f32 v57, v3;
	v9 =	vmul.f32 v9, v13  }
0xa8: {  	v62 =	vand.u32 $0x1FF, v29;
	v17 =	vadd.f32 v23, v17;
	v60 =	vmul.f32 v20, v25  }
0xa9: {  	v1 =	vadd.f32 v22, v1;
	v56 =	vand.u32 $0xFFFFFE00, v34;
	v5 =	vadd.f32 v9, v5  }
0xaa: {  	v2 =	vmul.f32 v19, v27;
	v10 =	vmul.f32 v10, v17;
	v6 =	vadd.f32 v60, v6  }
0xab: {  	v59 =	vadd.f32 v24, v7;
	v9 =	vmul.f32 v56, v61;
	v5 =	vmul.f32 v18, v5  }
0xac: {  	v58 =	vand.u32 $0xFFFFFE00, v31;
	v2 =	vadd.f32 v2, v3;
	[tilespmem:v12+s16+$0x0] =	vst.idx.add.f32.msk vm3, v10;
	v3 =	vmul.f32 v15, v6  }
0xad: {  	v63 =	vmul.f32 v58, v54;
	v7 =	vmul.f32 v9, v59;
	[tilespmem:v4+s16+$0x0] =	vst.idx.add.f32.msk vm0, v5  }
0xae: {  	v1 =	vmul.f32 v26, v1;
	[tilespmem:v16+s16+$0x0] =	vst.idx.add.f32.msk vm4, v3  }
0xaf: {  	v2 =	vmul.f32 v63, v2;
	[tilespmem:v8+s16+$0x0] =	vst.idx.add.f32.msk vm15, v7  }
0xb0: {  	[tilespmem:v21+s16+$0x0] =	vst.idx.add.f32.msk vm2, v1  }
0xb1: {  	[tilespmem:v62+s16+$0x0] =	vst.idx.add.f32.msk vm1, v2  }
0xb2: {  	p2 =	seq.s32 s24, $0xA  }
.Ltmp1:
0xb3: {  	_ = 	snop;
	(pc) =	sbr.rel @!p2 .LBB2_3-.Ltmp1, $2  }
0xb4: {  	_ =	sdelay $0x2  }
0xb5: {  	p1 =	por !p1, !p1  }
.Ltmp2:
0xb6: {  	(pc) =	sbr.rel @p0 .LBB2_10-.Ltmp2, $1  }
0xb7: {  	_ =	sdelay $0x3  }
0xb8: {  	s0 =	simm.s32 $0x0;
	s1 =	simm.s32 $0x13C80  }
0xb9: {  	[tilespmem:s1], [sflag:$0x2] =	stream.linear.gather [hbm4b:s9+s0], $0x100, $0x38;
	[tilespmem:$0x13E00] =	vst v63  }
0xba: {  	_ =	swait.ge [sflag:s18], $0x100  }
0xbb: {  	[sflag:s18] =	ssyncset.done $0x0  }
0xbc: {  	s31 =	simm.s32 $0x13D80;
	[sflag:s18] =	ssyncadd.s32 $0xFFFFFF00  }
0xbd: {  	[tilespmem:s31], [sflag:$0x2] =	stream.linear.gather [hbm4b:s10+s0], $0x80, $0x38;
	[tilespmem:$0x13E00] =	vst v63  }
0xbe: {  	_ =	swait.ge [sflag:s18], $0x80  }
0xbf: {  	[sflag:s18] =	ssyncset.done $0x0  }
0xc0: {  	s1 =	simm.s32 $0x0;
	s0 =	simm.s32 $0x40;
	[sflag:s18] =	ssyncadd.s32 $0xFFFFFF80  }
.LBB2_8:
0xc1: {  	p1 =	sne.s32 s0, $0x1C0;
	v1 =	vld [tilespmem:s1+$0x13D80];
	_ =	sdelay $0x3  }
0xc2: {  	v2 =	vld [tilespmem:s1+$0x13D00]  }
0xc3: {  	v3 =	vld [tilespmem:s1+$0x13C80];
	v4 =	vmul.f32 $-1.920000000e+02, v1  }
0xc4: {  	v5 =	vmul.f32 v1, v1;
	(erf) = vrcp.f32 v1  }
0xc5: {  	v4 =	vadd.f32 $2.400000000e+02, v4  }
0xc6: {  	v6 =	vmul.f32 $2.748334410e-01, v5  }
0xc7: {  	v4 =	vmul.f32 v4, v1  }
0xc8: {  	v6 =	vadd.f32 $-4.891753200e-01, v6  }
0xc9: {  	v1 =	vmul.f32 v5, v1;
	v4 =	vadd.f32 $-8.000000000e+01, v4  }
0xca: {  	v8 =	vmul.f32 v6, v5;
	v7 =	vld.idx.msk [tilespmem:v2+s4+$0x0], $0xffff  }
0xcb: {  	v6 =	vld.idx.msk [tilespmem:v3+s4+$0x0], $0xffff;
	v1 =	vmul.f32 v4, v1  }
0xcc: {  	v4 =	vadd.f32 $9.997018570e-01, v8  }
0xcd: {  	v1 =	vadd.f32 $1.000000000e+00, v1;
	v5 =	vpop (erf)  }
0xce: {  	v4 =	vsub.f32 v4, v5  }
0xcf: {  	v1 =	vmax.f32 v1, $0.0e+00  }
0xd0: {  	vm0 =	vlt.s32 v3, v2;
	v1 =	vmul.f32 v1, v4  }
0xd1: {  	v3 =	vand.u32 $0xFFFFFE00, v7;
	v2 =	vand.u32 $0xFFFFFE00, v6;
	v4 =	vand.u32 $0x1FF, v6  }
.Ltmp3:
0xd2: {  	v2 =	vmul.f32 v3, v2;
	v1 =	vadd.f32 v1, v5;
	(pc) =	sbr.rel @p1 .LBB2_8-.Ltmp3, $3  }
0xd3: {  	_ = 	snop  }
0xd4: {  	v1 =	vmul.f32 v1, v2;
	_ =	sdelay $0x1  }
0xd5: {  	s1 =	sshra.s32 s0, $0x2;
	s0 =	sadd.s32 $0x40, s0;
	[tilespmem:v4+s16+$0x0] =	vst.idx.add.f32.msk vm0, v1  }
0xd6: {  	v1 =	vld [tilespmem:s1+$0x13D80];
	_ =	sdelay $0x4  }
0xd7: {  	v2 =	vld [tilespmem:s1+$0x13D00];
	v3 =	vmul.f32 $-1.920000000e+02, v1  }
0xd8: {  	v4 =	vld [tilespmem:s1+$0x13C80];
	v5 =	vmul.f32 v1, v1;
	(erf) = vrcp.f32 v1  }
0xd9: {  	v3 =	vadd.f32 $2.400000000e+02, v3  }
0xda: {  	v6 =	vmul.f32 $2.748334410e-01, v5  }
0xdb: {  	v3 =	vmul.f32 v3, v1  }
0xdc: {  	v6 =	vadd.f32 $-4.891753200e-01, v6  }
0xdd: {  	v1 =	vmul.f32 v5, v1;
	v3 =	vadd.f32 $-8.000000000e+01, v3  }
0xde: {  	v5 =	vmul.f32 v6, v5  }
0xdf: {  	v62 =	vld.idx.msk [tilespmem:v2+s4+$0x0], $0xffff;
	v1 =	vmul.f32 v3, v1  }
0xe0: {  	v3 =	vld.idx.msk [tilespmem:v4+s4+$0x0], $0xffff;
	v5 =	vadd.f32 $9.997018570e-01, v5  }
0xe1: {  	v7 =	vpop (erf);
	v1 =	vadd.f32 $1.000000000e+00, v1  }
0xe2: {  	v5 =	vsub.f32 v5, v7  }
0xe3: {  	v1 =	vmax.f32 v1, $0.0e+00  }
0xe4: {  	vm0 =	vlt.s32 v4, v2;
	v1 =	vmul.f32 v1, v5  }
0xe5: {  	v63 =	vand.u32 $0xFFFFFE00, v62;
	v2 =	vand.u32 $0xFFFFFE00, v3;
	v3 =	vand.u32 $0x1FF, v3  }
0xe6: {  	v2 =	vmul.f32 v63, v2;
	v1 =	vadd.f32 v1, v7;
	_ =	sdelay $0x1  }
0xe7: {  	v1 =	vmul.f32 v1, v2;
	_ =	sdelay $0x1  }
0xe8: {  	[tilespmem:v3+s16+$0x0] =	vst.idx.add.f32.msk vm0, v1  }
.LBB2_10:
0xe9: {  	s0 =	simm.s32 $0x0  }
0xea: {  	v1 =	vld [tilespmem:s0+$0xC380]  }
0xeb: {  	s1 =	simm.s32 $0x40  }
.LBB2_11:
0xec: {  	p1 =	sne.s32 s1, $0x7C0  }
.Ltmp4:
0xed: {  	_ = 	snop;
	(pc) =	sbr.rel @p1 .LBB2_11-.Ltmp4, $4  }
0xee: {  	_ = 	snop  }
0xef: {  	s13 =	sshra.s32 s1, $0x2;
	s1 =	sadd.s32 $0x40, s1;
	v2 =	vmul.f32 $1.389600070e+02, v1  }
0xf0: {  	v1 =	vld [tilespmem:s13+$0xC380]  }
0xf1: {  	[tilespmem:s0+$0xC580] =	vst v2;
	s0 =	smov.u32 s13  }
0xf2: {  	_ =	sdelay $0x2  }
0xf3: {  	s23 =	sadd.s32 $0x1, s23;
	v1 =	vmul.f32 $1.389600070e+02, v1  }
0xf4: {  	s31 =	simm.s32 $0x80;
	p1 =	sne.s32 s23, s12  }
.Ltmp5:
0xf5: {  	s1 =	simm.s32 $0x400;
	s13 =	simm.s32 $0xC580;
	[tilespmem:s0+$0xC580] =	vst v1;
	(pc) =	sbr.rel @p1 .LBB2_1-.Ltmp5, $4  }
0xf6: {  	[hbm4b:s11+s31] =	stream.strided.scatter [tilespmem:s13], [sflag:$0x2], $0x200, s1, s31, $0x38;
	[tilespmem:$0x13E00] =	vst v63  }
0xf7: {  	_ =	swait.ge [sflag:s18], $0x200  }
0xf8: {  	[sflag:s18] =	ssyncset.done $0x0  }
0xf9: {  	[sflag:s18] =	ssyncadd.s32 $0xFFFFFE00  }
0xfa: {  	_ =	sfence.sel $0x180000  }
0xfb: {  	[bflag:$0x0] =	sbarrier.arrive $0xFFFF  }
0xfc: {  	_ =	strace $0x90000047  }
0xfd: {  	s0 =	stileid.u32;
	[bflag:$0x2] =	sbarrier.arrive $0xFFFF  }
0xfe: {  	p0 =	sne.s32 s0, $0x0;
	s0 =	rddreg [dreg:$0x3]  }
0xff: {  	s0 =	sadd.s32 @!p0 $0x100000, s0  }
0x100: {  	[sflag:s0] =	ssyncadd.tile.s32 @!p0 $0x1;
	_ =	shalt  }
.Lfunc_end2:
_tile_overlayer_lowered:
.L_overlay_start_2:
0x101: {  	(tag) =	ssettag $0x2  }
0x102: {  	s0 =	rddreg [dreg:$0x0];
	s2 =	stileid.u32  }
0x103: {  	s1 =	rddreg [dreg:$0x1];
	p0 =	sne.s32 s2, $0x0  }
0x104: {  	s3 =	rddreg [dreg:$0x2];
	[bflag:$0x3] =	sbarrier.arrive $0xFFFF;
	s2 =	simm.s32 @!p0 $0x1C02  }
0x105: {  	[timem:s3], [sflag:s2] =	dma.local @!p0 [hbm:s0], s1  }
0x106: {  	s0 =	simm.s32 @!p0 $0x2  }
0x107: {  	_ =	swait.ge @!p0 [sflag:s0], s1  }
0x108: {  	s1 =	ssub.s32 @!p0 $0x0, s1;
	[sflag:s0] =	ssyncset.done @!p0 $0x0  }
0x109: {  	[sflag:s0] =	ssyncadd.s32 @!p0 s1  }
0x10a: {  	[bflag:$0x3] =	sbarrier.arrive $0xFFFF  }
0x10b: {  	_ =	shalt  }

</sc_bundles>
